<compile_context>
chip_gen: v7x
topology: tpu7x:2x2x1
jax: 0.10.2.dev20260603
libtpu: 0.0.44.dev20260713+nightly
codegen_flags: <defaults>
</compile_context>

<pallas_src>
import functools

import jax
import jax.numpy as jnp
from jax import lax
from jax.experimental import pallas as pl
from jax.experimental.pallas import tpu as pltpu
from jax.experimental.pallas import tpu_sc as plsc

B = 16384
D = 16
GRP = 8
TROWS = 1000000 // GRP

_NC, _NS = 2, 16
_NW = _NC * _NS
_BPW = B // _NW
_CHUNK = 128
_NB = 4


_NT = 1000000 // 128
_TPW = -(-_NT // _NW)


@functools.cache
def _build_gather4():
    mesh = plsc.VectorSubcoreMesh(core_axis_name="c", subcore_axis_name="s")

    @functools.partial(
        pl.kernel,
        mesh=mesh,
        out_type=[jax.ShapeDtypeStruct((B, GRP * D), jnp.float32)] * 4,
        scratch_types=[
            pltpu.VMEM((_BPW,), jnp.int32),
            pltpu.VMEM((_BPW,), jnp.int32),
        ] + [pltpu.VMEM((_CHUNK, GRP * D), jnp.float32)] * _NB
          + [pltpu.SemaphoreType.DMA] * (2 * _NB),
    )
    def gather4(sid8_hbm, pid8_hbm, esg, epg, esm, epm,
                o_sg, o_pg, o_sm, o_pm,
                sidv, pidv, *scratch):
        bufs = scratch[:_NB]
        gsems = scratch[_NB:2 * _NB]
        osems = scratch[2 * _NB:]
        wid = lax.axis_index("s") * _NC + lax.axis_index("c")
        base = wid * _BPW
        pltpu.sync_copy(sid8_hbm.at[pl.ds(base, _BPW)], sidv)
        pltpu.sync_copy(pid8_hbm.at[pl.ds(base, _BPW)], pidv)

        work = []
        for tab, idx, out in ((esg, sidv, o_sg), (epg, pidv, o_pg),
                              (esm, sidv, o_sm), (epm, pidv, o_pm)):
            for c in range(_BPW // _CHUNK):
                work.append((tab, idx, out, c))
        nwk = len(work)

        g = [None] * nwk
        o = [None] * nwk

        def issue_out(j):
            _, _, out, c = work[j]
            p = j % _NB
            o[j] = pltpu.async_copy(
                bufs[p], out.at[pl.ds(base + c * _CHUNK, _CHUNK)], osems[p])

        for k in range(nwk):
            p = k % _NB
            if k >= _NB:
                o[k - _NB].wait()
            tab, idx, _, c = work[k]
            g[k] = pltpu.async_copy(
                tab.at[idx.at[pl.ds(c * _CHUNK, _CHUNK)]], bufs[p], gsems[p])
            j = k - (_NB - 1)
            if j >= 0:
                g[j].wait()
                issue_out(j)
        for j in range(nwk - (_NB - 1), nwk):
            g[j].wait()
            issue_out(j)
        for j in range(nwk - _NB, nwk):
            o[j].wait()

    return gather4


_TAIL0 = (1000000 // 128) * 128
_NTAIL = 1000000 - _TAIL0


def _mlp_body(sg8, pg8, sm8, pm8, sidb, pidb,
              tsg, tpg, tsm, tpm,
              w1a, w1b, b1, w2, b2, woh, wog, bo, out):
    hi = jax.lax.Precision.HIGHEST
    soff = sidb[...] & (GRP - 1)
    poff = pidb[...] & (GRP - 1)
    blk = sg8.shape[0]
    jj = lax.broadcasted_iota(jnp.int32, (blk, GRP * D), 1) // D
    ms = (jj == soff).astype(jnp.float32)
    mp = (jj == poff).astype(jnp.float32)
    fr = lax.broadcasted_iota(jnp.int32, (GRP * D, D), 0) % D
    fc = lax.broadcasted_iota(jnp.int32, (GRP * D, D), 1)
    F = (fr == fc).astype(jnp.float32)

    sg = jnp.dot(sg8[...] * ms, F, precision=hi)
    pg = jnp.dot(pg8[...] * mp, F, precision=hi)
    sm = jnp.dot(sm8[...] * ms, F, precision=hi)
    pm = jnp.dot(pm8[...] * mp, F, precision=hi)

    tt = lax.broadcasted_iota(jnp.int32, (blk, _NTAIL), 1)
    ohs = (tt == (sidb[...] - _TAIL0)).astype(jnp.float32)
    ohp = (tt == (pidb[...] - _TAIL0)).astype(jnp.float32)
    s_tail = sidb[...] >= _TAIL0
    p_tail = pidb[...] >= _TAIL0
    sg = jnp.where(s_tail, jnp.dot(ohs, tsg[...], precision=hi), sg)
    sm = jnp.where(s_tail, jnp.dot(ohs, tsm[...], precision=hi), sm)
    pg = jnp.where(p_tail, jnp.dot(ohp, tpg[...], precision=hi), pg)
    pm = jnp.where(p_tail, jnp.dot(ohp, tpm[...], precision=hi), pm)

    gmf = sg * pg
    h1 = jnp.maximum(jnp.dot(sm, w1a[...], precision=hi)
                     + jnp.dot(pm, w1b[...], precision=hi) + b1[...], 0.0)
    h2 = jnp.maximum(jnp.dot(h1, w2[...], precision=hi) + b2[...], 0.0)
    z = (jnp.sum(h2 * woh[...], axis=1, keepdims=True)
         + jnp.sum(gmf * wog[...], axis=1, keepdims=True)
         + bo[...])
    out[...] = jnp.maximum(z, 0.0)


_BLK = 2048


def _mlp(sg8, pg8, sm8, pm8, sidb, pidb, tsg, tpg, tsm, tpm,
         w1a, w1b, b1, w2, b2, woh, wog, bo, interpret=False):
    row = lambda i: (i, 0)
    full = lambda i: (0, 0)
    return pl.pallas_call(
        _mlp_body,
        grid=(B // _BLK,),
        in_specs=[
            pl.BlockSpec((_BLK, GRP * D), row),
            pl.BlockSpec((_BLK, GRP * D), row),
            pl.BlockSpec((_BLK, GRP * D), row),
            pl.BlockSpec((_BLK, GRP * D), row),
            pl.BlockSpec((_BLK, 1), row),
            pl.BlockSpec((_BLK, 1), row),
            pl.BlockSpec((_NTAIL, D), full),
            pl.BlockSpec((_NTAIL, D), full),
            pl.BlockSpec((_NTAIL, D), full),
            pl.BlockSpec((_NTAIL, D), full),
            pl.BlockSpec((D, 32), full),
            pl.BlockSpec((D, 32), full),
            pl.BlockSpec((1, 32), full),
            pl.BlockSpec((32, D), full),
            pl.BlockSpec((1, D), full),
            pl.BlockSpec((1, D), full),
            pl.BlockSpec((1, D), full),
            pl.BlockSpec((1, 1), full),
        ],
        out_specs=pl.BlockSpec((_BLK, 1), row),
        out_shape=jax.ShapeDtypeStruct((B, 1), jnp.float32),
        interpret=interpret,
    )(sg8, pg8, sm8, pm8, sidb, pidb, tsg, tpg, tsm, tpm,
      w1a, w1b, b1, w2, b2, woh, wog, bo)


def kernel(sid, pid, E_sg, E_pg, E_sm, E_pm, W1, b1, W2, b2, Wo, bo):
    sid = sid.astype(jnp.int32)
    pid = pid.astype(jnp.int32)
    sid8 = sid // GRP
    pid8 = pid // GRP
    t_sg = E_sg.reshape(TROWS, GRP * D)
    t_pg = E_pg.reshape(TROWS, GRP * D)
    t_sm = E_sm.reshape(TROWS, GRP * D)
    t_pm = E_pm.reshape(TROWS, GRP * D)
    sg8, pg8, sm8, pm8 = _build_gather4()(sid8, pid8, t_sg, t_pg, t_sm, t_pm)
    w1a = W1[:D]
    w1b = W1[D:]
    woh = Wo[:D].reshape(1, D)
    wog = Wo[D:].reshape(1, D)
    out = _mlp(sg8, pg8, sm8, pm8, sid.reshape(B, 1), pid.reshape(B, 1),
               E_sg[_TAIL0:], E_pg[_TAIL0:], E_sm[_TAIL0:], E_pm[_TAIL0:],
               w1a, w1b, b1.reshape(1, 32), W2,
               b2.reshape(1, D), woh, wog, bo.reshape(1, 1))
    return out.reshape(B)

# --- scband reference (transcript-rebuilt; emitter-appended) ---
"""Pipeline reference for scband-neural-collaborative-filtering-model-17970143167001 (READ-ONLY COPY).

The authoritative reference and input builder live on the scoring server;
editing this copy changes nothing except your own understanding.
"""

import jax, jax.numpy as jnp
import numpy as np

NUM_SCI = 1000000
NUM_PAP = 1000000
DIM = 16
HIDDEN = (32, 16)
BATCH = 16384


def setup_inputs(seed: int = 0) -> dict:
    key = jax.random.key(seed)
    ks = jax.random.split(key, 12)
    sid = jax.random.randint(ks[0], (BATCH,), 0, NUM_SCI, dtype=jnp.int64) if jax.config.jax_enable_x64 else jax.random.randint(ks[0], (BATCH,), 0, NUM_SCI, dtype=jnp.int32)
    pid = jax.random.randint(ks[1], (BATCH,), 0, NUM_PAP, dtype=jnp.int32)
    sid = sid.astype(jnp.int32)
    E_sg = jax.random.normal(ks[2], (NUM_SCI, DIM), dtype=jnp.float32) * 0.02
    E_pg = jax.random.normal(ks[3], (NUM_PAP, DIM), dtype=jnp.float32) * 0.02
    E_sm = jax.random.normal(ks[4], (NUM_SCI, DIM), dtype=jnp.float32) * 0.02
    E_pm = jax.random.normal(ks[5], (NUM_PAP, DIM), dtype=jnp.float32) * 0.02
    W1 = jax.random.normal(ks[6], (2 * DIM, HIDDEN[0]), dtype=jnp.float32) * (1.0 / np.sqrt(2 * DIM))
    b1 = jnp.zeros((HIDDEN[0],), dtype=jnp.float32)
    W2 = jax.random.normal(ks[7], (HIDDEN[0], HIDDEN[1]), dtype=jnp.float32) * (1.0 / np.sqrt(HIDDEN[0]))
    b2 = jnp.zeros((HIDDEN[1],), dtype=jnp.float32)
    Wo = jax.random.normal(ks[8], (DIM + HIDDEN[1], 1), dtype=jnp.float32) * (1.0 / np.sqrt(DIM + HIDDEN[1]))
    bo = jnp.zeros((1,), dtype=jnp.float32)
    return {"sid": sid, "pid": pid, "E_sg": E_sg, "E_pg": E_pg, "E_sm": E_sm, "E_pm": E_pm,
            "W1": W1, "b1": b1, "W2": W2, "b2": b2, "Wo": Wo, "bo": bo}


def reference(sid, pid, E_sg, E_pg, E_sm, E_pm, W1, b1, W2, b2, Wo, bo):
    # GMF branch: elementwise product of embedding lookups
    scientist_vec_gmf = jnp.take(E_sg, sid, axis=0)
    paper_vec_gmf = jnp.take(E_pg, pid, axis=0)
    gmf = scientist_vec_gmf * paper_vec_gmf
    # MLP branch
    scientist_vec = jnp.take(E_sm, sid, axis=0)
    paper_vec = jnp.take(E_pm, pid, axis=0)
    x = jnp.concatenate([scientist_vec, paper_vec], axis=-1)
    x = jax.nn.relu(x @ W1 + b1)  # Dropout(0.2) is identity in eval mode
    x = jax.nn.relu(x @ W2 + b2)
    x = jnp.concatenate([x, gmf], axis=-1)
    x = jax.nn.relu(x @ Wo + bo)
    return jnp.squeeze(x, axis=-1)

if __name__ == "__main__":
    import jax
    _d = setup_inputs()
    print(jax.jit(kernel)(*tuple(_d.values())))

</pallas_src>

<mosaic_0001>
#map = affine_map<(d0, d1) -> (0)>
#map1 = affine_map<(d0, d1) -> (0, 0)>
module attributes {stable_mosaic.version = 14 : i64} {
  func.func @gather4(%arg0: i32, %arg1: i32, %arg2: memref<16384xi32, #tpu.memory_space<hbm>>, %arg3: memref<16384xi32, #tpu.memory_space<hbm>>, %arg4: memref<125000x128xf32, #tpu.memory_space<hbm>>, %arg5: memref<125000x128xf32, #tpu.memory_space<hbm>>, %arg6: memref<125000x128xf32, #tpu.memory_space<hbm>>, %arg7: memref<125000x128xf32, #tpu.memory_space<hbm>>, %arg8: memref<16384x128xf32, #tpu.memory_space<hbm>>, %arg9: memref<16384x128xf32, #tpu.memory_space<hbm>>, %arg10: memref<16384x128xf32, #tpu.memory_space<hbm>>, %arg11: memref<16384x128xf32, #tpu.memory_space<hbm>>, %arg12: memref<512xi32, #tpu.memory_space<vmem>>, %arg13: memref<512xi32, #tpu.memory_space<vmem>>, %arg14: memref<128x128xf32, #tpu.memory_space<vmem>>, %arg15: memref<128x128xf32, #tpu.memory_space<vmem>>, %arg16: memref<128x128xf32, #tpu.memory_space<vmem>>, %arg17: memref<128x128xf32, #tpu.memory_space<vmem>>, %arg18: memref<!tpu.dma_semaphore, #tpu.memory_space<semaphore_mem>>, %arg19: memref<!tpu.dma_semaphore, #tpu.memory_space<semaphore_mem>>, %arg20: memref<!tpu.dma_semaphore, #tpu.memory_space<semaphore_mem>>, %arg21: memref<!tpu.dma_semaphore, #tpu.memory_space<semaphore_mem>>, %arg22: memref<!tpu.dma_semaphore, #tpu.memory_space<semaphore_mem>>, %arg23: memref<!tpu.dma_semaphore, #tpu.memory_space<semaphore_mem>>, %arg24: memref<!tpu.dma_semaphore, #tpu.memory_space<semaphore_mem>>, %arg25: memref<!tpu.dma_semaphore, #tpu.memory_space<semaphore_mem>>) attributes {dimension_semantics = [#tpu.dimension_semantics<core_parallel>, #tpu.dimension_semantics<subcore_parallel>], iteration_bounds = array<i64: 2, 16>, scalar_prefetch = 0 : i64, scratch_operands = 14 : i64, tpu.core_type = #tpu.core_type<sc_vector_subcore>, window_params = [{transform_indices = #map}, {transform_indices = #map}, {transform_indices = #map1}, {transform_indices = #map1}, {transform_indices = #map1}, {transform_indices = #map1}, {transform_indices = #map1}, {transform_indices = #map1}, {transform_indices = #map1}, {transform_indices = #map1}]} {
    %mul3A = arith.constant 2 : i32
    %mul3A_0 = arith.muli %arg1, %mul3A : i32
    %add3A = arith.addi %mul3A_0, %arg0 : i32
    %mul3A_1 = arith.constant 512 : i32
    %mul3A_2 = arith.muli %add3A, %mul3A_1 : i32
    "tpu.region"() ({
      %run_scoped3A = tpu.sem_alloc : memref<!tpu.dma_semaphore, #tpu.memory_space<semaphore_mem>>
      %dma_start3A_321 = tpu.memref_slice %arg2[%mul3A_2] : memref<16384xi32, #tpu.memory_space<hbm>> -> memref<512xi32, #tpu.memory_space<hbm>>
      %dma_start3A_322 = tpu.memref_slice %arg2[%mul3A_2] : memref<16384xi32, #tpu.memory_space<hbm>> -> memref<512xi32, #tpu.memory_space<hbm>>
      tpu.enqueue_dma source(%dma_start3A_322 : memref<512xi32, #tpu.memory_space<hbm>>) target(%arg12 : memref<512xi32, #tpu.memory_space<vmem>>) target_semaphore(%run_scoped3A : memref<!tpu.dma_semaphore, #tpu.memory_space<semaphore_mem>>)
      %dma_wait3A_323 = tpu.memref_slice %arg2[%mul3A_2] : memref<16384xi32, #tpu.memory_space<hbm>> -> memref<512xi32, #tpu.memory_space<hbm>>
      %dma_wait3A_324 = tpu.memref_slice %arg2[%mul3A_2] : memref<16384xi32, #tpu.memory_space<hbm>> -> memref<512xi32, #tpu.memory_space<hbm>>
      tpu.wait_dma2 semaphore(%run_scoped3A : memref<!tpu.dma_semaphore, #tpu.memory_space<semaphore_mem>>) src(%dma_wait3A_324 : memref<512xi32, #tpu.memory_space<hbm>>) dst(%arg12 : memref<512xi32, #tpu.memory_space<vmem>>)
      tpu.yield
    }) : () -> ()
    "tpu.region"() ({
      %run_scoped3A = tpu.sem_alloc : memref<!tpu.dma_semaphore, #tpu.memory_space<semaphore_mem>>
      %dma_start3A_321 = tpu.memref_slice %arg3[%mul3A_2] : memref<16384xi32, #tpu.memory_space<hbm>> -> memref<512xi32, #tpu.memory_space<hbm>>
      %dma_start3A_322 = tpu.memref_slice %arg3[%mul3A_2] : memref<16384xi32, #tpu.memory_space<hbm>> -> memref<512xi32, #tpu.memory_space<hbm>>
      tpu.enqueue_dma source(%dma_start3A_322 : memref<512xi32, #tpu.memory_space<hbm>>) target(%arg13 : memref<512xi32, #tpu.memory_space<vmem>>) target_semaphore(%run_scoped3A : memref<!tpu.dma_semaphore, #tpu.memory_space<semaphore_mem>>)
      %dma_wait3A_323 = tpu.memref_slice %arg3[%mul3A_2] : memref<16384xi32, #tpu.memory_space<hbm>> -> memref<512xi32, #tpu.memory_space<hbm>>
      %dma_wait3A_324 = tpu.memref_slice %arg3[%mul3A_2] : memref<16384xi32, #tpu.memory_space<hbm>> -> memref<512xi32, #tpu.memory_space<hbm>>
      tpu.wait_dma2 semaphore(%run_scoped3A : memref<!tpu.dma_semaphore, #tpu.memory_space<semaphore_mem>>) src(%dma_wait3A_324 : memref<512xi32, #tpu.memory_space<hbm>>) dst(%arg13 : memref<512xi32, #tpu.memory_space<vmem>>)
      tpu.yield
    }) : () -> ()
    %dma_start3A = arith.constant 0 : i32
    %dma_start3A_3 = tpu.memref_slice %arg12[%dma_start3A] : memref<512xi32, #tpu.memory_space<vmem>> -> memref<128xi32, #tpu.memory_space<vmem>>
    %dma_start3A_4 = arith.constant 0 : i32
    %dma_start3A_5 = arith.constant 0 : i32
    %dma_start3A_6 = tpu.memref_slice %arg4[%dma_start3A_4, %dma_start3A_5] : memref<125000x128xf32, #tpu.memory_space<hbm>> -> memref<125000x128xf32, #tpu.memory_space<hbm>>
    tpu.enqueue_indirect_dma source(%dma_start3A_6 : memref<125000x128xf32, #tpu.memory_space<hbm>>) target(%arg14 : memref<128x128xf32, #tpu.memory_space<vmem>>) offsets(%dma_start3A_3 : memref<128xi32, #tpu.memory_space<vmem>>) semaphore(%arg18 : memref<!tpu.dma_semaphore, #tpu.memory_space<semaphore_mem>>)
    %dma_start3A_7 = arith.constant 128 : i32
    %dma_start3A_8 = tpu.memref_slice %arg12[%dma_start3A_7] : memref<512xi32, #tpu.memory_space<vmem>> -> memref<128xi32, #tpu.memory_space<vmem>>
    %dma_start3A_9 = arith.constant 0 : i32
    %dma_start3A_10 = arith.constant 0 : i32
    %dma_start3A_11 = tpu.memref_slice %arg4[%dma_start3A_9, %dma_start3A_10] : memref<125000x128xf32, #tpu.memory_space<hbm>> -> memref<125000x128xf32, #tpu.memory_space<hbm>>
    tpu.enqueue_indirect_dma source(%dma_start3A_11 : memref<125000x128xf32, #tpu.memory_space<hbm>>) target(%arg15 : memref<128x128xf32, #tpu.memory_space<vmem>>) offsets(%dma_start3A_8 : memref<128xi32, #tpu.memory_space<vmem>>) semaphore(%arg19 : memref<!tpu.dma_semaphore, #tpu.memory_space<semaphore_mem>>)
    %dma_start3A_12 = arith.constant 256 : i32
    %dma_start3A_13 = tpu.memref_slice %arg12[%dma_start3A_12] : memref<512xi32, #tpu.memory_space<vmem>> -> memref<128xi32, #tpu.memory_space<vmem>>
    %dma_start3A_14 = arith.constant 0 : i32
    %dma_start3A_15 = arith.constant 0 : i32
    %dma_start3A_16 = tpu.memref_slice %arg4[%dma_start3A_14, %dma_start3A_15] : memref<125000x128xf32, #tpu.memory_space<hbm>> -> memref<125000x128xf32, #tpu.memory_space<hbm>>
    tpu.enqueue_indirect_dma source(%dma_start3A_16 : memref<125000x128xf32, #tpu.memory_space<hbm>>) target(%arg16 : memref<128x128xf32, #tpu.memory_space<vmem>>) offsets(%dma_start3A_13 : memref<128xi32, #tpu.memory_space<vmem>>) semaphore(%arg20 : memref<!tpu.dma_semaphore, #tpu.memory_space<semaphore_mem>>)
    %dma_start3A_17 = arith.constant 384 : i32
    %dma_start3A_18 = tpu.memref_slice %arg12[%dma_start3A_17] : memref<512xi32, #tpu.memory_space<vmem>> -> memref<128xi32, #tpu.memory_space<vmem>>
    %dma_start3A_19 = arith.constant 0 : i32
    %dma_start3A_20 = arith.constant 0 : i32
    %dma_start3A_21 = tpu.memref_slice %arg4[%dma_start3A_19, %dma_start3A_20] : memref<125000x128xf32, #tpu.memory_space<hbm>> -> memref<125000x128xf32, #tpu.memory_space<hbm>>
    tpu.enqueue_indirect_dma source(%dma_start3A_21 : memref<125000x128xf32, #tpu.memory_space<hbm>>) target(%arg17 : memref<128x128xf32, #tpu.memory_space<vmem>>) offsets(%dma_start3A_18 : memref<128xi32, #tpu.memory_space<vmem>>) semaphore(%arg21 : memref<!tpu.dma_semaphore, #tpu.memory_space<semaphore_mem>>)
    %dma_wait3A = arith.constant 0 : i32
    %dma_wait3A_22 = tpu.memref_slice %arg12[%dma_wait3A] : memref<512xi32, #tpu.memory_space<vmem>> -> memref<128xi32, #tpu.memory_space<vmem>>
    %dma_wait3A_23 = arith.constant 0 : i32
    %dma_wait3A_24 = arith.constant 0 : i32
    %dma_wait3A_25 = tpu.memref_slice %arg4[%dma_wait3A_23, %dma_wait3A_24] : memref<125000x128xf32, #tpu.memory_space<hbm>> -> memref<125000x128xf32, #tpu.memory_space<hbm>>
    tpu.wait_indirect_dma semaphore(%arg18 : memref<!tpu.dma_semaphore, #tpu.memory_space<semaphore_mem>>) src(%dma_wait3A_25 : memref<125000x128xf32, #tpu.memory_space<hbm>>) dst(%arg14 : memref<128x128xf32, #tpu.memory_space<vmem>>)
    %add3A_26 = arith.constant 0 : i32
    %add3A_27 = arith.addi %mul3A_2, %add3A_26 : i32
    %dma_start3A_28 = arith.constant 0 : i32
    %dma_start3A_29 = tpu.memref_slice %arg8[%add3A_27, %dma_start3A_28] : memref<16384x128xf32, #tpu.memory_space<hbm>> -> memref<128x128xf32, #tpu.memory_space<hbm>>
    %dma_start3A_30 = arith.constant 0 : i32
    %dma_start3A_31 = tpu.memref_slice %arg8[%add3A_27, %dma_start3A_30] : memref<16384x128xf32, #tpu.memory_space<hbm>> -> memref<128x128xf32, #tpu.memory_space<hbm>>
    tpu.enqueue_dma source(%arg14 : memref<128x128xf32, #tpu.memory_space<vmem>>) target(%dma_start3A_31 : memref<128x128xf32, #tpu.memory_space<hbm>>) target_semaphore(%arg22 : memref<!tpu.dma_semaphore, #tpu.memory_space<semaphore_mem>>)
    %dma_wait3A_32 = arith.constant 0 : i32
    %dma_wait3A_33 = tpu.memref_slice %arg8[%add3A_27, %dma_wait3A_32] : memref<16384x128xf32, #tpu.memory_space<hbm>> -> memref<128x128xf32, #tpu.memory_space<hbm>>
    %dma_wait3A_34 = arith.constant 0 : i32
    %dma_wait3A_35 = tpu.memref_slice %arg8[%add3A_27, %dma_wait3A_34] : memref<16384x128xf32, #tpu.memory_space<hbm>> -> memref<128x128xf32, #tpu.memory_space<hbm>>
    tpu.wait_dma2 semaphore(%arg22 : memref<!tpu.dma_semaphore, #tpu.memory_space<semaphore_mem>>) src(%arg14 : memref<128x128xf32, #tpu.memory_space<vmem>>) dst(%dma_wait3A_35 : memref<128x128xf32, #tpu.memory_space<hbm>>)
    %dma_start3A_36 = arith.constant 0 : i32
    %dma_start3A_37 = tpu.memref_slice %arg13[%dma_start3A_36] : memref<512xi32, #tpu.memory_space<vmem>> -> memref<128xi32, #tpu.memory_space<vmem>>
    %dma_start3A_38 = arith.constant 0 : i32
    %dma_start3A_39 = arith.constant 0 : i32
    %dma_start3A_40 = tpu.memref_slice %arg5[%dma_start3A_38, %dma_start3A_39] : memref<125000x128xf32, #tpu.memory_space<hbm>> -> memref<125000x128xf32, #tpu.memory_space<hbm>>
    tpu.enqueue_indirect_dma source(%dma_start3A_40 : memref<125000x128xf32, #tpu.memory_space<hbm>>) target(%arg14 : memref<128x128xf32, #tpu.memory_space<vmem>>) offsets(%dma_start3A_37 : memref<128xi32, #tpu.memory_space<vmem>>) semaphore(%arg18 : memref<!tpu.dma_semaphore, #tpu.memory_space<semaphore_mem>>)
    %dma_wait3A_41 = arith.constant 128 : i32
    %dma_wait3A_42 = tpu.memref_slice %arg12[%dma_wait3A_41] : memref<512xi32, #tpu.memory_space<vmem>> -> memref<128xi32, #tpu.memory_space<vmem>>
    %dma_wait3A_43 = arith.constant 0 : i32
    %dma_wait3A_44 = arith.constant 0 : i32
    %dma_wait3A_45 = tpu.memref_slice %arg4[%dma_wait3A_43, %dma_wait3A_44] : memref<125000x128xf32, #tpu.memory_space<hbm>> -> memref<125000x128xf32, #tpu.memory_space<hbm>>
    tpu.wait_indirect_dma semaphore(%arg19 : memref<!tpu.dma_semaphore, #tpu.memory_space<semaphore_mem>>) src(%dma_wait3A_45 : memref<125000x128xf32, #tpu.memory_space<hbm>>) dst(%arg15 : memref<128x128xf32, #tpu.memory_space<vmem>>)
    %add3A_46 = arith.constant 128 : i32
    %add3A_47 = arith.addi %mul3A_2, %add3A_46 : i32
    %dma_start3A_48 = arith.constant 0 : i32
    %dma_start3A_49 = tpu.memref_slice %arg8[%add3A_47, %dma_start3A_48] : memref<16384x128xf32, #tpu.memory_space<hbm>> -> memref<128x128xf32, #tpu.memory_space<hbm>>
    %dma_start3A_50 = arith.constant 0 : i32
    %dma_start3A_51 = tpu.memref_slice %arg8[%add3A_47, %dma_start3A_50] : memref<16384x128xf32, #tpu.memory_space<hbm>> -> memref<128x128xf32, #tpu.memory_space<hbm>>
    tpu.enqueue_dma source(%arg15 : memref<128x128xf32, #tpu.memory_space<vmem>>) target(%dma_start3A_51 : memref<128x128xf32, #tpu.memory_space<hbm>>) target_semaphore(%arg23 : memref<!tpu.dma_semaphore, #tpu.memory_space<semaphore_mem>>)
    %dma_wait3A_52 = arith.constant 0 : i32
    %dma_wait3A_53 = tpu.memref_slice %arg8[%add3A_47, %dma_wait3A_52] : memref<16384x128xf32, #tpu.memory_space<hbm>> -> memref<128x128xf32, #tpu.memory_space<hbm>>
    %dma_wait3A_54 = arith.constant 0 : i32
    %dma_wait3A_55 = tpu.memref_slice %arg8[%add3A_47, %dma_wait3A_54] : memref<16384x128xf32, #tpu.memory_space<hbm>> -> memref<128x128xf32, #tpu.memory_space<hbm>>
    tpu.wait_dma2 semaphore(%arg23 : memref<!tpu.dma_semaphore, #tpu.memory_space<semaphore_mem>>) src(%arg15 : memref<128x128xf32, #tpu.memory_space<vmem>>) dst(%dma_wait3A_55 : memref<128x128xf32, #tpu.memory_space<hbm>>)
    %dma_start3A_56 = arith.constant 128 : i32
    %dma_start3A_57 = tpu.memref_slice %arg13[%dma_start3A_56] : memref<512xi32, #tpu.memory_space<vmem>> -> memref<128xi32, #tpu.memory_space<vmem>>
    %dma_start3A_58 = arith.constant 0 : i32
    %dma_start3A_59 = arith.constant 0 : i32
    %dma_start3A_60 = tpu.memref_slice %arg5[%dma_start3A_58, %dma_start3A_59] : memref<125000x128xf32, #tpu.memory_space<hbm>> -> memref<125000x128xf32, #tpu.memory_space<hbm>>
    tpu.enqueue_indirect_dma source(%dma_start3A_60 : memref<125000x128xf32, #tpu.memory_space<hbm>>) target(%arg15 : memref<128x128xf32, #tpu.memory_space<vmem>>) offsets(%dma_start3A_57 : memref<128xi32, #tpu.memory_space<vmem>>) semaphore(%arg19 : memref<!tpu.dma_semaphore, #tpu.memory_space<semaphore_mem>>)
    %dma_wait3A_61 = arith.constant 256 : i32
    %dma_wait3A_62 = tpu.memref_slice %arg12[%dma_wait3A_61] : memref<512xi32, #tpu.memory_space<vmem>> -> memref<128xi32, #tpu.memory_space<vmem>>
    %dma_wait3A_63 = arith.constant 0 : i32
    %dma_wait3A_64 = arith.constant 0 : i32
    %dma_wait3A_65 = tpu.memref_slice %arg4[%dma_wait3A_63, %dma_wait3A_64] : memref<125000x128xf32, #tpu.memory_space<hbm>> -> memref<125000x128xf32, #tpu.memory_space<hbm>>
    tpu.wait_indirect_dma semaphore(%arg20 : memref<!tpu.dma_semaphore, #tpu.memory_space<semaphore_mem>>) src(%dma_wait3A_65 : memref<125000x128xf32, #tpu.memory_space<hbm>>) dst(%arg16 : memref<128x128xf32, #tpu.memory_space<vmem>>)
    %add3A_66 = arith.constant 256 : i32
    %add3A_67 = arith.addi %mul3A_2, %add3A_66 : i32
    %dma_start3A_68 = arith.constant 0 : i32
    %dma_start3A_69 = tpu.memref_slice %arg8[%add3A_67, %dma_start3A_68] : memref<16384x128xf32, #tpu.memory_space<hbm>> -> memref<128x128xf32, #tpu.memory_space<hbm>>
    %dma_start3A_70 = arith.constant 0 : i32
    %dma_start3A_71 = tpu.memref_slice %arg8[%add3A_67, %dma_start3A_70] : memref<16384x128xf32, #tpu.memory_space<hbm>> -> memref<128x128xf32, #tpu.memory_space<hbm>>
    tpu.enqueue_dma source(%arg16 : memref<128x128xf32, #tpu.memory_space<vmem>>) target(%dma_start3A_71 : memref<128x128xf32, #tpu.memory_space<hbm>>) target_semaphore(%arg24 : memref<!tpu.dma_semaphore, #tpu.memory_space<semaphore_mem>>)
    %dma_wait3A_72 = arith.constant 0 : i32
    %dma_wait3A_73 = tpu.memref_slice %arg8[%add3A_67, %dma_wait3A_72] : memref<16384x128xf32, #tpu.memory_space<hbm>> -> memref<128x128xf32, #tpu.memory_space<hbm>>
    %dma_wait3A_74 = arith.constant 0 : i32
    %dma_wait3A_75 = tpu.memref_slice %arg8[%add3A_67, %dma_wait3A_74] : memref<16384x128xf32, #tpu.memory_space<hbm>> -> memref<128x128xf32, #tpu.memory_space<hbm>>
    tpu.wait_dma2 semaphore(%arg24 : memref<!tpu.dma_semaphore, #tpu.memory_space<semaphore_mem>>) src(%arg16 : memref<128x128xf32, #tpu.memory_space<vmem>>) dst(%dma_wait3A_75 : memref<128x128xf32, #tpu.memory_space<hbm>>)
    %dma_start3A_76 = arith.constant 256 : i32
    %dma_start3A_77 = tpu.memref_slice %arg13[%dma_start3A_76] : memref<512xi32, #tpu.memory_space<vmem>> -> memref<128xi32, #tpu.memory_space<vmem>>
    %dma_start3A_78 = arith.constant 0 : i32
    %dma_start3A_79 = arith.constant 0 : i32
    %dma_start3A_80 = tpu.memref_slice %arg5[%dma_start3A_78, %dma_start3A_79] : memref<125000x128xf32, #tpu.memory_space<hbm>> -> memref<125000x128xf32, #tpu.memory_space<hbm>>
    tpu.enqueue_indirect_dma source(%dma_start3A_80 : memref<125000x128xf32, #tpu.memory_space<hbm>>) target(%arg16 : memref<128x128xf32, #tpu.memory_space<vmem>>) offsets(%dma_start3A_77 : memref<128xi32, #tpu.memory_space<vmem>>) semaphore(%arg20 : memref<!tpu.dma_semaphore, #tpu.memory_space<semaphore_mem>>)
    %dma_wait3A_81 = arith.constant 384 : i32
    %dma_wait3A_82 = tpu.memref_slice %arg12[%dma_wait3A_81] : memref<512xi32, #tpu.memory_space<vmem>> -> memref<128xi32, #tpu.memory_space<vmem>>
    %dma_wait3A_83 = arith.constant 0 : i32
    %dma_wait3A_84 = arith.constant 0 : i32
    %dma_wait3A_85 = tpu.memref_slice %arg4[%dma_wait3A_83, %dma_wait3A_84] : memref<125000x128xf32, #tpu.memory_space<hbm>> -> memref<125000x128xf32, #tpu.memory_space<hbm>>
    tpu.wait_indirect_dma semaphore(%arg21 : memref<!tpu.dma_semaphore, #tpu.memory_space<semaphore_mem>>) src(%dma_wait3A_85 : memref<125000x128xf32, #tpu.memory_space<hbm>>) dst(%arg17 : memref<128x128xf32, #tpu.memory_space<vmem>>)
    %add3A_86 = arith.constant 384 : i32
    %add3A_87 = arith.addi %mul3A_2, %add3A_86 : i32
    %dma_start3A_88 = arith.constant 0 : i32
    %dma_start3A_89 = tpu.memref_slice %arg8[%add3A_87, %dma_start3A_88] : memref<16384x128xf32, #tpu.memory_space<hbm>> -> memref<128x128xf32, #tpu.memory_space<hbm>>
    %dma_start3A_90 = arith.constant 0 : i32
    %dma_start3A_91 = tpu.memref_slice %arg8[%add3A_87, %dma_start3A_90] : memref<16384x128xf32, #tpu.memory_space<hbm>> -> memref<128x128xf32, #tpu.memory_space<hbm>>
    tpu.enqueue_dma source(%arg17 : memref<128x128xf32, #tpu.memory_space<vmem>>) target(%dma_start3A_91 : memref<128x128xf32, #tpu.memory_space<hbm>>) target_semaphore(%arg25 : memref<!tpu.dma_semaphore, #tpu.memory_space<semaphore_mem>>)
    %dma_wait3A_92 = arith.constant 0 : i32
    %dma_wait3A_93 = tpu.memref_slice %arg8[%add3A_87, %dma_wait3A_92] : memref<16384x128xf32, #tpu.memory_space<hbm>> -> memref<128x128xf32, #tpu.memory_space<hbm>>
    %dma_wait3A_94 = arith.constant 0 : i32
    %dma_wait3A_95 = tpu.memref_slice %arg8[%add3A_87, %dma_wait3A_94] : memref<16384x128xf32, #tpu.memory_space<hbm>> -> memref<128x128xf32, #tpu.memory_space<hbm>>
    tpu.wait_dma2 semaphore(%arg25 : memref<!tpu.dma_semaphore, #tpu.memory_space<semaphore_mem>>) src(%arg17 : memref<128x128xf32, #tpu.memory_space<vmem>>) dst(%dma_wait3A_95 : memref<128x128xf32, #tpu.memory_space<hbm>>)
    %dma_start3A_96 = arith.constant 384 : i32
    %dma_start3A_97 = tpu.memref_slice %arg13[%dma_start3A_96] : memref<512xi32, #tpu.memory_space<vmem>> -> memref<128xi32, #tpu.memory_space<vmem>>
    %dma_start3A_98 = arith.constant 0 : i32
    %dma_start3A_99 = arith.constant 0 : i32
    %dma_start3A_100 = tpu.memref_slice %arg5[%dma_start3A_98, %dma_start3A_99] : memref<125000x128xf32, #tpu.memory_space<hbm>> -> memref<125000x128xf32, #tpu.memory_space<hbm>>
    tpu.enqueue_indirect_dma source(%dma_start3A_100 : memref<125000x128xf32, #tpu.memory_space<hbm>>) target(%arg17 : memref<128x128xf32, #tpu.memory_space<vmem>>) offsets(%dma_start3A_97 : memref<128xi32, #tpu.memory_space<vmem>>) semaphore(%arg21 : memref<!tpu.dma_semaphore, #tpu.memory_space<semaphore_mem>>)
    %dma_wait3A_101 = arith.constant 0 : i32
    %dma_wait3A_102 = tpu.memref_slice %arg13[%dma_wait3A_101] : memref<512xi32, #tpu.memory_space<vmem>> -> memref<128xi32, #tpu.memory_space<vmem>>
    %dma_wait3A_103 = arith.constant 0 : i32
    %dma_wait3A_104 = arith.constant 0 : i32
    %dma_wait3A_105 = tpu.memref_slice %arg5[%dma_wait3A_103, %dma_wait3A_104] : memref<125000x128xf32, #tpu.memory_space<hbm>> -> memref<125000x128xf32, #tpu.memory_space<hbm>>
    tpu.wait_indirect_dma semaphore(%arg18 : memref<!tpu.dma_semaphore, #tpu.memory_space<semaphore_mem>>) src(%dma_wait3A_105 : memref<125000x128xf32, #tpu.memory_space<hbm>>) dst(%arg14 : memref<128x128xf32, #tpu.memory_space<vmem>>)
    %add3A_106 = arith.constant 0 : i32
    %add3A_107 = arith.addi %mul3A_2, %add3A_106 : i32
    %dma_start3A_108 = arith.constant 0 : i32
    %dma_start3A_109 = tpu.memref_slice %arg9[%add3A_107, %dma_start3A_108] : memref<16384x128xf32, #tpu.memory_space<hbm>> -> memref<128x128xf32, #tpu.memory_space<hbm>>
    %dma_start3A_110 = arith.constant 0 : i32
    %dma_start3A_111 = tpu.memref_slice %arg9[%add3A_107, %dma_start3A_110] : memref<16384x128xf32, #tpu.memory_space<hbm>> -> memref<128x128xf32, #tpu.memory_space<hbm>>
    tpu.enqueue_dma source(%arg14 : memref<128x128xf32, #tpu.memory_space<vmem>>) target(%dma_start3A_111 : memref<128x128xf32, #tpu.memory_space<hbm>>) target_semaphore(%arg22 : memref<!tpu.dma_semaphore, #tpu.memory_space<semaphore_mem>>)
    %dma_wait3A_112 = arith.constant 0 : i32
    %dma_wait3A_113 = tpu.memref_slice %arg9[%add3A_107, %dma_wait3A_112] : memref<16384x128xf32, #tpu.memory_space<hbm>> -> memref<128x128xf32, #tpu.memory_space<hbm>>
    %dma_wait3A_114 = arith.constant 0 : i32
    %dma_wait3A_115 = tpu.memref_slice %arg9[%add3A_107, %dma_wait3A_114] : memref<16384x128xf32, #tpu.memory_space<hbm>> -> memref<128x128xf32, #tpu.memory_space<hbm>>
    tpu.wait_dma2 semaphore(%arg22 : memref<!tpu.dma_semaphore, #tpu.memory_space<semaphore_mem>>) src(%arg14 : memref<128x128xf32, #tpu.memory_space<vmem>>) dst(%dma_wait3A_115 : memref<128x128xf32, #tpu.memory_space<hbm>>)
    %dma_start3A_116 = arith.constant 0 : i32
    %dma_start3A_117 = tpu.memref_slice %arg12[%dma_start3A_116] : memref<512xi32, #tpu.memory_space<vmem>> -> memref<128xi32, #tpu.memory_space<vmem>>
    %dma_start3A_118 = arith.constant 0 : i32
    %dma_start3A_119 = arith.constant 0 : i32
    %dma_start3A_120 = tpu.memref_slice %arg6[%dma_start3A_118, %dma_start3A_119] : memref<125000x128xf32, #tpu.memory_space<hbm>> -> memref<125000x128xf32, #tpu.memory_space<hbm>>
    tpu.enqueue_indirect_dma source(%dma_start3A_120 : memref<125000x128xf32, #tpu.memory_space<hbm>>) target(%arg14 : memref<128x128xf32, #tpu.memory_space<vmem>>) offsets(%dma_start3A_117 : memref<128xi32, #tpu.memory_space<vmem>>) semaphore(%arg18 : memref<!tpu.dma_semaphore, #tpu.memory_space<semaphore_mem>>)
    %dma_wait3A_121 = arith.constant 128 : i32
    %dma_wait3A_122 = tpu.memref_slice %arg13[%dma_wait3A_121] : memref<512xi32, #tpu.memory_space<vmem>> -> memref<128xi32, #tpu.memory_space<vmem>>
    %dma_wait3A_123 = arith.constant 0 : i32
    %dma_wait3A_124 = arith.constant 0 : i32
    %dma_wait3A_125 = tpu.memref_slice %arg5[%dma_wait3A_123, %dma_wait3A_124] : memref<125000x128xf32, #tpu.memory_space<hbm>> -> memref<125000x128xf32, #tpu.memory_space<hbm>>
    tpu.wait_indirect_dma semaphore(%arg19 : memref<!tpu.dma_semaphore, #tpu.memory_space<semaphore_mem>>) src(%dma_wait3A_125 : memref<125000x128xf32, #tpu.memory_space<hbm>>) dst(%arg15 : memref<128x128xf32, #tpu.memory_space<vmem>>)
    %add3A_126 = arith.constant 128 : i32
    %add3A_127 = arith.addi %mul3A_2, %add3A_126 : i32
    %dma_start3A_128 = arith.constant 0 : i32
    %dma_start3A_129 = tpu.memref_slice %arg9[%add3A_127, %dma_start3A_128] : memref<16384x128xf32, #tpu.memory_space<hbm>> -> memref<128x128xf32, #tpu.memory_space<hbm>>
    %dma_start3A_130 = arith.constant 0 : i32
    %dma_start3A_131 = tpu.memref_slice %arg9[%add3A_127, %dma_start3A_130] : memref<16384x128xf32, #tpu.memory_space<hbm>> -> memref<128x128xf32, #tpu.memory_space<hbm>>
    tpu.enqueue_dma source(%arg15 : memref<128x128xf32, #tpu.memory_space<vmem>>) target(%dma_start3A_131 : memref<128x128xf32, #tpu.memory_space<hbm>>) target_semaphore(%arg23 : memref<!tpu.dma_semaphore, #tpu.memory_space<semaphore_mem>>)
    %dma_wait3A_132 = arith.constant 0 : i32
    %dma_wait3A_133 = tpu.memref_slice %arg9[%add3A_127, %dma_wait3A_132] : memref<16384x128xf32, #tpu.memory_space<hbm>> -> memref<128x128xf32, #tpu.memory_space<hbm>>
    %dma_wait3A_134 = arith.constant 0 : i32
    %dma_wait3A_135 = tpu.memref_slice %arg9[%add3A_127, %dma_wait3A_134] : memref<16384x128xf32, #tpu.memory_space<hbm>> -> memref<128x128xf32, #tpu.memory_space<hbm>>
    tpu.wait_dma2 semaphore(%arg23 : memref<!tpu.dma_semaphore, #tpu.memory_space<semaphore_mem>>) src(%arg15 : memref<128x128xf32, #tpu.memory_space<vmem>>) dst(%dma_wait3A_135 : memref<128x128xf32, #tpu.memory_space<hbm>>)
    %dma_start3A_136 = arith.constant 128 : i32
    %dma_start3A_137 = tpu.memref_slice %arg12[%dma_start3A_136] : memref<512xi32, #tpu.memory_space<vmem>> -> memref<128xi32, #tpu.memory_space<vmem>>
    %dma_start3A_138 = arith.constant 0 : i32
    %dma_start3A_139 = arith.constant 0 : i32
    %dma_start3A_140 = tpu.memref_slice %arg6[%dma_start3A_138, %dma_start3A_139] : memref<125000x128xf32, #tpu.memory_space<hbm>> -> memref<125000x128xf32, #tpu.memory_space<hbm>>
    tpu.enqueue_indirect_dma source(%dma_start3A_140 : memref<125000x128xf32, #tpu.memory_space<hbm>>) target(%arg15 : memref<128x128xf32, #tpu.memory_space<vmem>>) offsets(%dma_start3A_137 : memref<128xi32, #tpu.memory_space<vmem>>) semaphore(%arg19 : memref<!tpu.dma_semaphore, #tpu.memory_space<semaphore_mem>>)
    %dma_wait3A_141 = arith.constant 256 : i32
    %dma_wait3A_142 = tpu.memref_slice %arg13[%dma_wait3A_141] : memref<512xi32, #tpu.memory_space<vmem>> -> memref<128xi32, #tpu.memory_space<vmem>>
    %dma_wait3A_143 = arith.constant 0 : i32
    %dma_wait3A_144 = arith.constant 0 : i32
    %dma_wait3A_145 = tpu.memref_slice %arg5[%dma_wait3A_143, %dma_wait3A_144] : memref<125000x128xf32, #tpu.memory_space<hbm>> -> memref<125000x128xf32, #tpu.memory_space<hbm>>
    tpu.wait_indirect_dma semaphore(%arg20 : memref<!tpu.dma_semaphore, #tpu.memory_space<semaphore_mem>>) src(%dma_wait3A_145 : memref<125000x128xf32, #tpu.memory_space<hbm>>) dst(%arg16 : memref<128x128xf32, #tpu.memory_space<vmem>>)
    %add3A_146 = arith.constant 256 : i32
    %add3A_147 = arith.addi %mul3A_2, %add3A_146 : i32
    %dma_start3A_148 = arith.constant 0 : i32
    %dma_start3A_149 = tpu.memref_slice %arg9[%add3A_147, %dma_start3A_148] : memref<16384x128xf32, #tpu.memory_space<hbm>> -> memref<128x128xf32, #tpu.memory_space<hbm>>
    %dma_start3A_150 = arith.constant 0 : i32
    %dma_start3A_151 = tpu.memref_slice %arg9[%add3A_147, %dma_start3A_150] : memref<16384x128xf32, #tpu.memory_space<hbm>> -> memref<128x128xf32, #tpu.memory_space<hbm>>
    tpu.enqueue_dma source(%arg16 : memref<128x128xf32, #tpu.memory_space<vmem>>) target(%dma_start3A_151 : memref<128x128xf32, #tpu.memory_space<hbm>>) target_semaphore(%arg24 : memref<!tpu.dma_semaphore, #tpu.memory_space<semaphore_mem>>)
    %dma_wait3A_152 = arith.constant 0 : i32
    %dma_wait3A_153 = tpu.memref_slice %arg9[%add3A_147, %dma_wait3A_152] : memref<16384x128xf32, #tpu.memory_space<hbm>> -> memref<128x128xf32, #tpu.memory_space<hbm>>
    %dma_wait3A_154 = arith.constant 0 : i32
    %dma_wait3A_155 = tpu.memref_slice %arg9[%add3A_147, %dma_wait3A_154] : memref<16384x128xf32, #tpu.memory_space<hbm>> -> memref<128x128xf32, #tpu.memory_space<hbm>>
    tpu.wait_dma2 semaphore(%arg24 : memref<!tpu.dma_semaphore, #tpu.memory_space<semaphore_mem>>) src(%arg16 : memref<128x128xf32, #tpu.memory_space<vmem>>) dst(%dma_wait3A_155 : memref<128x128xf32, #tpu.memory_space<hbm>>)
    %dma_start3A_156 = arith.constant 256 : i32
    %dma_start3A_157 = tpu.memref_slice %arg12[%dma_start3A_156] : memref<512xi32, #tpu.memory_space<vmem>> -> memref<128xi32, #tpu.memory_space<vmem>>
    %dma_start3A_158 = arith.constant 0 : i32
    %dma_start3A_159 = arith.constant 0 : i32
    %dma_start3A_160 = tpu.memref_slice %arg6[%dma_start3A_158, %dma_start3A_159] : memref<125000x128xf32, #tpu.memory_space<hbm>> -> memref<125000x128xf32, #tpu.memory_space<hbm>>
    tpu.enqueue_indirect_dma source(%dma_start3A_160 : memref<125000x128xf32, #tpu.memory_space<hbm>>) target(%arg16 : memref<128x128xf32, #tpu.memory_space<vmem>>) offsets(%dma_start3A_157 : memref<128xi32, #tpu.memory_space<vmem>>) semaphore(%arg20 : memref<!tpu.dma_semaphore, #tpu.memory_space<semaphore_mem>>)
    %dma_wait3A_161 = arith.constant 384 : i32
    %dma_wait3A_162 = tpu.memref_slice %arg13[%dma_wait3A_161] : memref<512xi32, #tpu.memory_space<vmem>> -> memref<128xi32, #tpu.memory_space<vmem>>
    %dma_wait3A_163 = arith.constant 0 : i32
    %dma_wait3A_164 = arith.constant 0 : i32
    %dma_wait3A_165 = tpu.memref_slice %arg5[%dma_wait3A_163, %dma_wait3A_164] : memref<125000x128xf32, #tpu.memory_space<hbm>> -> memref<125000x128xf32, #tpu.memory_space<hbm>>
    tpu.wait_indirect_dma semaphore(%arg21 : memref<!tpu.dma_semaphore, #tpu.memory_space<semaphore_mem>>) src(%dma_wait3A_165 : memref<125000x128xf32, #tpu.memory_space<hbm>>) dst(%arg17 : memref<128x128xf32, #tpu.memory_space<vmem>>)
    %add3A_166 = arith.constant 384 : i32
    %add3A_167 = arith.addi %mul3A_2, %add3A_166 : i32
    %dma_start3A_168 = arith.constant 0 : i32
    %dma_start3A_169 = tpu.memref_slice %arg9[%add3A_167, %dma_start3A_168] : memref<16384x128xf32, #tpu.memory_space<hbm>> -> memref<128x128xf32, #tpu.memory_space<hbm>>
    %dma_start3A_170 = arith.constant 0 : i32
    %dma_start3A_171 = tpu.memref_slice %arg9[%add3A_167, %dma_start3A_170] : memref<16384x128xf32, #tpu.memory_space<hbm>> -> memref<128x128xf32, #tpu.memory_space<hbm>>
    tpu.enqueue_dma source(%arg17 : memref<128x128xf32, #tpu.memory_space<vmem>>) target(%dma_start3A_171 : memref<128x128xf32, #tpu.memory_space<hbm>>) target_semaphore(%arg25 : memref<!tpu.dma_semaphore, #tpu.memory_space<semaphore_mem>>)
    %dma_wait3A_172 = arith.constant 0 : i32
    %dma_wait3A_173 = tpu.memref_slice %arg9[%add3A_167, %dma_wait3A_172] : memref<16384x128xf32, #tpu.memory_space<hbm>> -> memref<128x128xf32, #tpu.memory_space<hbm>>
    %dma_wait3A_174 = arith.constant 0 : i32
    %dma_wait3A_175 = tpu.memref_slice %arg9[%add3A_167, %dma_wait3A_174] : memref<16384x128xf32, #tpu.memory_space<hbm>> -> memref<128x128xf32, #tpu.memory_space<hbm>>
    tpu.wait_dma2 semaphore(%arg25 : memref<!tpu.dma_semaphore, #tpu.memory_space<semaphore_mem>>) src(%arg17 : memref<128x128xf32, #tpu.memory_space<vmem>>) dst(%dma_wait3A_175 : memref<128x128xf32, #tpu.memory_space<hbm>>)
    %dma_start3A_176 = arith.constant 384 : i32
    %dma_start3A_177 = tpu.memref_slice %arg12[%dma_start3A_176] : memref<512xi32, #tpu.memory_space<vmem>> -> memref<128xi32, #tpu.memory_space<vmem>>
    %dma_start3A_178 = arith.constant 0 : i32
    %dma_start3A_179 = arith.constant 0 : i32
    %dma_start3A_180 = tpu.memref_slice %arg6[%dma_start3A_178, %dma_start3A_179] : memref<125000x128xf32, #tpu.memory_space<hbm>> -> memref<125000x128xf32, #tpu.memory_space<hbm>>
    tpu.enqueue_indirect_dma source(%dma_start3A_180 : memref<125000x128xf32, #tpu.memory_space<hbm>>) target(%arg17 : memref<128x128xf32, #tpu.memory_space<vmem>>) offsets(%dma_start3A_177 : memref<128xi32, #tpu.memory_space<vmem>>) semaphore(%arg21 : memref<!tpu.dma_semaphore, #tpu.memory_space<semaphore_mem>>)
    %dma_wait3A_181 = arith.constant 0 : i32
    %dma_wait3A_182 = tpu.memref_slice %arg12[%dma_wait3A_181] : memref<512xi32, #tpu.memory_space<vmem>> -> memref<128xi32, #tpu.memory_space<vmem>>
    %dma_wait3A_183 = arith.constant 0 : i32
    %dma_wait3A_184 = arith.constant 0 : i32
    %dma_wait3A_185 = tpu.memref_slice %arg6[%dma_wait3A_183, %dma_wait3A_184] : memref<125000x128xf32, #tpu.memory_space<hbm>> -> memref<125000x128xf32, #tpu.memory_space<hbm>>
    tpu.wait_indirect_dma semaphore(%arg18 : memref<!tpu.dma_semaphore, #tpu.memory_space<semaphore_mem>>) src(%dma_wait3A_185 : memref<125000x128xf32, #tpu.memory_space<hbm>>) dst(%arg14 : memref<128x128xf32, #tpu.memory_space<vmem>>)
    %add3A_186 = arith.constant 0 : i32
    %add3A_187 = arith.addi %mul3A_2, %add3A_186 : i32
    %dma_start3A_188 = arith.constant 0 : i32
    %dma_start3A_189 = tpu.memref_slice %arg10[%add3A_187, %dma_start3A_188] : memref<16384x128xf32, #tpu.memory_space<hbm>> -> memref<128x128xf32, #tpu.memory_space<hbm>>
    %dma_start3A_190 = arith.constant 0 : i32
    %dma_start3A_191 = tpu.memref_slice %arg10[%add3A_187, %dma_start3A_190] : memref<16384x128xf32, #tpu.memory_space<hbm>> -> memref<128x128xf32, #tpu.memory_space<hbm>>
    tpu.enqueue_dma source(%arg14 : memref<128x128xf32, #tpu.memory_space<vmem>>) target(%dma_start3A_191 : memref<128x128xf32, #tpu.memory_space<hbm>>) target_semaphore(%arg22 : memref<!tpu.dma_semaphore, #tpu.memory_space<semaphore_mem>>)
    %dma_wait3A_192 = arith.constant 0 : i32
    %dma_wait3A_193 = tpu.memref_slice %arg10[%add3A_187, %dma_wait3A_192] : memref<16384x128xf32, #tpu.memory_space<hbm>> -> memref<128x128xf32, #tpu.memory_space<hbm>>
    %dma_wait3A_194 = arith.constant 0 : i32
    %dma_wait3A_195 = tpu.memref_slice %arg10[%add3A_187, %dma_wait3A_194] : memref<16384x128xf32, #tpu.memory_space<hbm>> -> memref<128x128xf32, #tpu.memory_space<hbm>>
    tpu.wait_dma2 semaphore(%arg22 : memref<!tpu.dma_semaphore, #tpu.memory_space<semaphore_mem>>) src(%arg14 : memref<128x128xf32, #tpu.memory_space<vmem>>) dst(%dma_wait3A_195 : memref<128x128xf32, #tpu.memory_space<hbm>>)
    %dma_start3A_196 = arith.constant 0 : i32
    %dma_start3A_197 = tpu.memref_slice %arg13[%dma_start3A_196] : memref<512xi32, #tpu.memory_space<vmem>> -> memref<128xi32, #tpu.memory_space<vmem>>
    %dma_start3A_198 = arith.constant 0 : i32
    %dma_start3A_199 = arith.constant 0 : i32
    %dma_start3A_200 = tpu.memref_slice %arg7[%dma_start3A_198, %dma_start3A_199] : memref<125000x128xf32, #tpu.memory_space<hbm>> -> memref<125000x128xf32, #tpu.memory_space<hbm>>
    tpu.enqueue_indirect_dma source(%dma_start3A_200 : memref<125000x128xf32, #tpu.memory_space<hbm>>) target(%arg14 : memref<128x128xf32, #tpu.memory_space<vmem>>) offsets(%dma_start3A_197 : memref<128xi32, #tpu.memory_space<vmem>>) semaphore(%arg18 : memref<!tpu.dma_semaphore, #tpu.memory_space<semaphore_mem>>)
    %dma_wait3A_201 = arith.constant 128 : i32
    %dma_wait3A_202 = tpu.memref_slice %arg12[%dma_wait3A_201] : memref<512xi32, #tpu.memory_space<vmem>> -> memref<128xi32, #tpu.memory_space<vmem>>
    %dma_wait3A_203 = arith.constant 0 : i32
    %dma_wait3A_204 = arith.constant 0 : i32
    %dma_wait3A_205 = tpu.memref_slice %arg6[%dma_wait3A_203, %dma_wait3A_204] : memref<125000x128xf32, #tpu.memory_space<hbm>> -> memref<125000x128xf32, #tpu.memory_space<hbm>>
    tpu.wait_indirect_dma semaphore(%arg19 : memref<!tpu.dma_semaphore, #tpu.memory_space<semaphore_mem>>) src(%dma_wait3A_205 : memref<125000x128xf32, #tpu.memory_space<hbm>>) dst(%arg15 : memref<128x128xf32, #tpu.memory_space<vmem>>)
    %add3A_206 = arith.constant 128 : i32
    %add3A_207 = arith.addi %mul3A_2, %add3A_206 : i32
    %dma_start3A_208 = arith.constant 0 : i32
    %dma_start3A_209 = tpu.memref_slice %arg10[%add3A_207, %dma_start3A_208] : memref<16384x128xf32, #tpu.memory_space<hbm>> -> memref<128x128xf32, #tpu.memory_space<hbm>>
    %dma_start3A_210 = arith.constant 0 : i32
    %dma_start3A_211 = tpu.memref_slice %arg10[%add3A_207, %dma_start3A_210] : memref<16384x128xf32, #tpu.memory_space<hbm>> -> memref<128x128xf32, #tpu.memory_space<hbm>>
    tpu.enqueue_dma source(%arg15 : memref<128x128xf32, #tpu.memory_space<vmem>>) target(%dma_start3A_211 : memref<128x128xf32, #tpu.memory_space<hbm>>) target_semaphore(%arg23 : memref<!tpu.dma_semaphore, #tpu.memory_space<semaphore_mem>>)
    %dma_wait3A_212 = arith.constant 0 : i32
    %dma_wait3A_213 = tpu.memref_slice %arg10[%add3A_207, %dma_wait3A_212] : memref<16384x128xf32, #tpu.memory_space<hbm>> -> memref<128x128xf32, #tpu.memory_space<hbm>>
    %dma_wait3A_214 = arith.constant 0 : i32
    %dma_wait3A_215 = tpu.memref_slice %arg10[%add3A_207, %dma_wait3A_214] : memref<16384x128xf32, #tpu.memory_space<hbm>> -> memref<128x128xf32, #tpu.memory_space<hbm>>
    tpu.wait_dma2 semaphore(%arg23 : memref<!tpu.dma_semaphore, #tpu.memory_space<semaphore_mem>>) src(%arg15 : memref<128x128xf32, #tpu.memory_space<vmem>>) dst(%dma_wait3A_215 : memref<128x128xf32, #tpu.memory_space<hbm>>)
    %dma_start3A_216 = arith.constant 128 : i32
    %dma_start3A_217 = tpu.memref_slice %arg13[%dma_start3A_216] : memref<512xi32, #tpu.memory_space<vmem>> -> memref<128xi32, #tpu.memory_space<vmem>>
    %dma_start3A_218 = arith.constant 0 : i32
    %dma_start3A_219 = arith.constant 0 : i32
    %dma_start3A_220 = tpu.memref_slice %arg7[%dma_start3A_218, %dma_start3A_219] : memref<125000x128xf32, #tpu.memory_space<hbm>> -> memref<125000x128xf32, #tpu.memory_space<hbm>>
    tpu.enqueue_indirect_dma source(%dma_start3A_220 : memref<125000x128xf32, #tpu.memory_space<hbm>>) target(%arg15 : memref<128x128xf32, #tpu.memory_space<vmem>>) offsets(%dma_start3A_217 : memref<128xi32, #tpu.memory_space<vmem>>) semaphore(%arg19 : memref<!tpu.dma_semaphore, #tpu.memory_space<semaphore_mem>>)
    %dma_wait3A_221 = arith.constant 256 : i32
    %dma_wait3A_222 = tpu.memref_slice %arg12[%dma_wait3A_221] : memref<512xi32, #tpu.memory_space<vmem>> -> memref<128xi32, #tpu.memory_space<vmem>>
    %dma_wait3A_223 = arith.constant 0 : i32
    %dma_wait3A_224 = arith.constant 0 : i32
    %dma_wait3A_225 = tpu.memref_slice %arg6[%dma_wait3A_223, %dma_wait3A_224] : memref<125000x128xf32, #tpu.memory_space<hbm>> -> memref<125000x128xf32, #tpu.memory_space<hbm>>
    tpu.wait_indirect_dma semaphore(%arg20 : memref<!tpu.dma_semaphore, #tpu.memory_space<semaphore_mem>>) src(%dma_wait3A_225 : memref<125000x128xf32, #tpu.memory_space<hbm>>) dst(%arg16 : memref<128x128xf32, #tpu.memory_space<vmem>>)
    %add3A_226 = arith.constant 256 : i32
    %add3A_227 = arith.addi %mul3A_2, %add3A_226 : i32
    %dma_start3A_228 = arith.constant 0 : i32
    %dma_start3A_229 = tpu.memref_slice %arg10[%add3A_227, %dma_start3A_228] : memref<16384x128xf32, #tpu.memory_space<hbm>> -> memref<128x128xf32, #tpu.memory_space<hbm>>
    %dma_start3A_230 = arith.constant 0 : i32
    %dma_start3A_231 = tpu.memref_slice %arg10[%add3A_227, %dma_start3A_230] : memref<16384x128xf32, #tpu.memory_space<hbm>> -> memref<128x128xf32, #tpu.memory_space<hbm>>
    tpu.enqueue_dma source(%arg16 : memref<128x128xf32, #tpu.memory_space<vmem>>) target(%dma_start3A_231 : memref<128x128xf32, #tpu.memory_space<hbm>>) target_semaphore(%arg24 : memref<!tpu.dma_semaphore, #tpu.memory_space<semaphore_mem>>)
    %dma_wait3A_232 = arith.constant 0 : i32
    %dma_wait3A_233 = tpu.memref_slice %arg10[%add3A_227, %dma_wait3A_232] : memref<16384x128xf32, #tpu.memory_space<hbm>> -> memref<128x128xf32, #tpu.memory_space<hbm>>
    %dma_wait3A_234 = arith.constant 0 : i32
    %dma_wait3A_235 = tpu.memref_slice %arg10[%add3A_227, %dma_wait3A_234] : memref<16384x128xf32, #tpu.memory_space<hbm>> -> memref<128x128xf32, #tpu.memory_space<hbm>>
    tpu.wait_dma2 semaphore(%arg24 : memref<!tpu.dma_semaphore, #tpu.memory_space<semaphore_mem>>) src(%arg16 : memref<128x128xf32, #tpu.memory_space<vmem>>) dst(%dma_wait3A_235 : memref<128x128xf32, #tpu.memory_space<hbm>>)
    %dma_start3A_236 = arith.constant 256 : i32
    %dma_start3A_237 = tpu.memref_slice %arg13[%dma_start3A_236] : memref<512xi32, #tpu.memory_space<vmem>> -> memref<128xi32, #tpu.memory_space<vmem>>
    %dma_start3A_238 = arith.constant 0 : i32
    %dma_start3A_239 = arith.constant 0 : i32
    %dma_start3A_240 = tpu.memref_slice %arg7[%dma_start3A_238, %dma_start3A_239] : memref<125000x128xf32, #tpu.memory_space<hbm>> -> memref<125000x128xf32, #tpu.memory_space<hbm>>
    tpu.enqueue_indirect_dma source(%dma_start3A_240 : memref<125000x128xf32, #tpu.memory_space<hbm>>) target(%arg16 : memref<128x128xf32, #tpu.memory_space<vmem>>) offsets(%dma_start3A_237 : memref<128xi32, #tpu.memory_space<vmem>>) semaphore(%arg20 : memref<!tpu.dma_semaphore, #tpu.memory_space<semaphore_mem>>)
    %dma_wait3A_241 = arith.constant 384 : i32
    %dma_wait3A_242 = tpu.memref_slice %arg12[%dma_wait3A_241] : memref<512xi32, #tpu.memory_space<vmem>> -> memref<128xi32, #tpu.memory_space<vmem>>
    %dma_wait3A_243 = arith.constant 0 : i32
    %dma_wait3A_244 = arith.constant 0 : i32
    %dma_wait3A_245 = tpu.memref_slice %arg6[%dma_wait3A_243, %dma_wait3A_244] : memref<125000x128xf32, #tpu.memory_space<hbm>> -> memref<125000x128xf32, #tpu.memory_space<hbm>>
    tpu.wait_indirect_dma semaphore(%arg21 : memref<!tpu.dma_semaphore, #tpu.memory_space<semaphore_mem>>) src(%dma_wait3A_245 : memref<125000x128xf32, #tpu.memory_space<hbm>>) dst(%arg17 : memref<128x128xf32, #tpu.memory_space<vmem>>)
    %add3A_246 = arith.constant 384 : i32
    %add3A_247 = arith.addi %mul3A_2, %add3A_246 : i32
    %dma_start3A_248 = arith.constant 0 : i32
    %dma_start3A_249 = tpu.memref_slice %arg10[%add3A_247, %dma_start3A_248] : memref<16384x128xf32, #tpu.memory_space<hbm>> -> memref<128x128xf32, #tpu.memory_space<hbm>>
    %dma_start3A_250 = arith.constant 0 : i32
    %dma_start3A_251 = tpu.memref_slice %arg10[%add3A_247, %dma_start3A_250] : memref<16384x128xf32, #tpu.memory_space<hbm>> -> memref<128x128xf32, #tpu.memory_space<hbm>>
    tpu.enqueue_dma source(%arg17 : memref<128x128xf32, #tpu.memory_space<vmem>>) target(%dma_start3A_251 : memref<128x128xf32, #tpu.memory_space<hbm>>) target_semaphore(%arg25 : memref<!tpu.dma_semaphore, #tpu.memory_space<semaphore_mem>>)
    %dma_wait3A_252 = arith.constant 0 : i32
    %dma_wait3A_253 = tpu.memref_slice %arg10[%add3A_247, %dma_wait3A_252] : memref<16384x128xf32, #tpu.memory_space<hbm>> -> memref<128x128xf32, #tpu.memory_space<hbm>>
    %dma_wait3A_254 = arith.constant 0 : i32
    %dma_wait3A_255 = tpu.memref_slice %arg10[%add3A_247, %dma_wait3A_254] : memref<16384x128xf32, #tpu.memory_space<hbm>> -> memref<128x128xf32, #tpu.memory_space<hbm>>
    tpu.wait_dma2 semaphore(%arg25 : memref<!tpu.dma_semaphore, #tpu.memory_space<semaphore_mem>>) src(%arg17 : memref<128x128xf32, #tpu.memory_space<vmem>>) dst(%dma_wait3A_255 : memref<128x128xf32, #tpu.memory_space<hbm>>)
    %dma_start3A_256 = arith.constant 384 : i32
    %dma_start3A_257 = tpu.memref_slice %arg13[%dma_start3A_256] : memref<512xi32, #tpu.memory_space<vmem>> -> memref<128xi32, #tpu.memory_space<vmem>>
    %dma_start3A_258 = arith.constant 0 : i32
    %dma_start3A_259 = arith.constant 0 : i32
    %dma_start3A_260 = tpu.memref_slice %arg7[%dma_start3A_258, %dma_start3A_259] : memref<125000x128xf32, #tpu.memory_space<hbm>> -> memref<125000x128xf32, #tpu.memory_space<hbm>>
    tpu.enqueue_indirect_dma source(%dma_start3A_260 : memref<125000x128xf32, #tpu.memory_space<hbm>>) target(%arg17 : memref<128x128xf32, #tpu.memory_space<vmem>>) offsets(%dma_start3A_257 : memref<128xi32, #tpu.memory_space<vmem>>) semaphore(%arg21 : memref<!tpu.dma_semaphore, #tpu.memory_space<semaphore_mem>>)
    %dma_wait3A_261 = arith.constant 0 : i32
    %dma_wait3A_262 = tpu.memref_slice %arg13[%dma_wait3A_261] : memref<512xi32, #tpu.memory_space<vmem>> -> memref<128xi32, #tpu.memory_space<vmem>>
    %dma_wait3A_263 = arith.constant 0 : i32
    %dma_wait3A_264 = arith.constant 0 : i32
    %dma_wait3A_265 = tpu.memref_slice %arg7[%dma_wait3A_263, %dma_wait3A_264] : memref<125000x128xf32, #tpu.memory_space<hbm>> -> memref<125000x128xf32, #tpu.memory_space<hbm>>
    tpu.wait_indirect_dma semaphore(%arg18 : memref<!tpu.dma_semaphore, #tpu.memory_space<semaphore_mem>>) src(%dma_wait3A_265 : memref<125000x128xf32, #tpu.memory_space<hbm>>) dst(%arg14 : memref<128x128xf32, #tpu.memory_space<vmem>>)
    %add3A_266 = arith.constant 0 : i32
    %add3A_267 = arith.addi %mul3A_2, %add3A_266 : i32
    %dma_start3A_268 = arith.constant 0 : i32
    %dma_start3A_269 = tpu.memref_slice %arg11[%add3A_267, %dma_start3A_268] : memref<16384x128xf32, #tpu.memory_space<hbm>> -> memref<128x128xf32, #tpu.memory_space<hbm>>
    %dma_start3A_270 = arith.constant 0 : i32
    %dma_start3A_271 = tpu.memref_slice %arg11[%add3A_267, %dma_start3A_270] : memref<16384x128xf32, #tpu.memory_space<hbm>> -> memref<128x128xf32, #tpu.memory_space<hbm>>
    tpu.enqueue_dma source(%arg14 : memref<128x128xf32, #tpu.memory_space<vmem>>) target(%dma_start3A_271 : memref<128x128xf32, #tpu.memory_space<hbm>>) target_semaphore(%arg22 : memref<!tpu.dma_semaphore, #tpu.memory_space<semaphore_mem>>)
    %dma_wait3A_272 = arith.constant 128 : i32
    %dma_wait3A_273 = tpu.memref_slice %arg13[%dma_wait3A_272] : memref<512xi32, #tpu.memory_space<vmem>> -> memref<128xi32, #tpu.memory_space<vmem>>
    %dma_wait3A_274 = arith.constant 0 : i32
    %dma_wait3A_275 = arith.constant 0 : i32
    %dma_wait3A_276 = tpu.memref_slice %arg7[%dma_wait3A_274, %dma_wait3A_275] : memref<125000x128xf32, #tpu.memory_space<hbm>> -> memref<125000x128xf32, #tpu.memory_space<hbm>>
    tpu.wait_indirect_dma semaphore(%arg19 : memref<!tpu.dma_semaphore, #tpu.memory_space<semaphore_mem>>) src(%dma_wait3A_276 : memref<125000x128xf32, #tpu.memory_space<hbm>>) dst(%arg15 : memref<128x128xf32, #tpu.memory_space<vmem>>)
    %add3A_277 = arith.constant 128 : i32
    %add3A_278 = arith.addi %mul3A_2, %add3A_277 : i32
    %dma_start3A_279 = arith.constant 0 : i32
    %dma_start3A_280 = tpu.memref_slice %arg11[%add3A_278, %dma_start3A_279] : memref<16384x128xf32, #tpu.memory_space<hbm>> -> memref<128x128xf32, #tpu.memory_space<hbm>>
    %dma_start3A_281 = arith.constant 0 : i32
    %dma_start3A_282 = tpu.memref_slice %arg11[%add3A_278, %dma_start3A_281] : memref<16384x128xf32, #tpu.memory_space<hbm>> -> memref<128x128xf32, #tpu.memory_space<hbm>>
    tpu.enqueue_dma source(%arg15 : memref<128x128xf32, #tpu.memory_space<vmem>>) target(%dma_start3A_282 : memref<128x128xf32, #tpu.memory_space<hbm>>) target_semaphore(%arg23 : memref<!tpu.dma_semaphore, #tpu.memory_space<semaphore_mem>>)
    %dma_wait3A_283 = arith.constant 256 : i32
    %dma_wait3A_284 = tpu.memref_slice %arg13[%dma_wait3A_283] : memref<512xi32, #tpu.memory_space<vmem>> -> memref<128xi32, #tpu.memory_space<vmem>>
    %dma_wait3A_285 = arith.constant 0 : i32
    %dma_wait3A_286 = arith.constant 0 : i32
    %dma_wait3A_287 = tpu.memref_slice %arg7[%dma_wait3A_285, %dma_wait3A_286] : memref<125000x128xf32, #tpu.memory_space<hbm>> -> memref<125000x128xf32, #tpu.memory_space<hbm>>
    tpu.wait_indirect_dma semaphore(%arg20 : memref<!tpu.dma_semaphore, #tpu.memory_space<semaphore_mem>>) src(%dma_wait3A_287 : memref<125000x128xf32, #tpu.memory_space<hbm>>) dst(%arg16 : memref<128x128xf32, #tpu.memory_space<vmem>>)
    %add3A_288 = arith.constant 256 : i32
    %add3A_289 = arith.addi %mul3A_2, %add3A_288 : i32
    %dma_start3A_290 = arith.constant 0 : i32
    %dma_start3A_291 = tpu.memref_slice %arg11[%add3A_289, %dma_start3A_290] : memref<16384x128xf32, #tpu.memory_space<hbm>> -> memref<128x128xf32, #tpu.memory_space<hbm>>
    %dma_start3A_292 = arith.constant 0 : i32
    %dma_start3A_293 = tpu.memref_slice %arg11[%add3A_289, %dma_start3A_292] : memref<16384x128xf32, #tpu.memory_space<hbm>> -> memref<128x128xf32, #tpu.memory_space<hbm>>
    tpu.enqueue_dma source(%arg16 : memref<128x128xf32, #tpu.memory_space<vmem>>) target(%dma_start3A_293 : memref<128x128xf32, #tpu.memory_space<hbm>>) target_semaphore(%arg24 : memref<!tpu.dma_semaphore, #tpu.memory_space<semaphore_mem>>)
    %dma_wait3A_294 = arith.constant 384 : i32
    %dma_wait3A_295 = tpu.memref_slice %arg13[%dma_wait3A_294] : memref<512xi32, #tpu.memory_space<vmem>> -> memref<128xi32, #tpu.memory_space<vmem>>
    %dma_wait3A_296 = arith.constant 0 : i32
    %dma_wait3A_297 = arith.constant 0 : i32
    %dma_wait3A_298 = tpu.memref_slice %arg7[%dma_wait3A_296, %dma_wait3A_297] : memref<125000x128xf32, #tpu.memory_space<hbm>> -> memref<125000x128xf32, #tpu.memory_space<hbm>>
    tpu.wait_indirect_dma semaphore(%arg21 : memref<!tpu.dma_semaphore, #tpu.memory_space<semaphore_mem>>) src(%dma_wait3A_298 : memref<125000x128xf32, #tpu.memory_space<hbm>>) dst(%arg17 : memref<128x128xf32, #tpu.memory_space<vmem>>)
    %add3A_299 = arith.constant 384 : i32
    %add3A_300 = arith.addi %mul3A_2, %add3A_299 : i32
    %dma_start3A_301 = arith.constant 0 : i32
    %dma_start3A_302 = tpu.memref_slice %arg11[%add3A_300, %dma_start3A_301] : memref<16384x128xf32, #tpu.memory_space<hbm>> -> memref<128x128xf32, #tpu.memory_space<hbm>>
    %dma_start3A_303 = arith.constant 0 : i32
    %dma_start3A_304 = tpu.memref_slice %arg11[%add3A_300, %dma_start3A_303] : memref<16384x128xf32, #tpu.memory_space<hbm>> -> memref<128x128xf32, #tpu.memory_space<hbm>>
    tpu.enqueue_dma source(%arg17 : memref<128x128xf32, #tpu.memory_space<vmem>>) target(%dma_start3A_304 : memref<128x128xf32, #tpu.memory_space<hbm>>) target_semaphore(%arg25 : memref<!tpu.dma_semaphore, #tpu.memory_space<semaphore_mem>>)
    %dma_wait3A_305 = arith.constant 0 : i32
    %dma_wait3A_306 = tpu.memref_slice %arg11[%add3A_267, %dma_wait3A_305] : memref<16384x128xf32, #tpu.memory_space<hbm>> -> memref<128x128xf32, #tpu.memory_space<hbm>>
    %dma_wait3A_307 = arith.constant 0 : i32
    %dma_wait3A_308 = tpu.memref_slice %arg11[%add3A_267, %dma_wait3A_307] : memref<16384x128xf32, #tpu.memory_space<hbm>> -> memref<128x128xf32, #tpu.memory_space<hbm>>
    tpu.wait_dma2 semaphore(%arg22 : memref<!tpu.dma_semaphore, #tpu.memory_space<semaphore_mem>>) src(%arg14 : memref<128x128xf32, #tpu.memory_space<vmem>>) dst(%dma_wait3A_308 : memref<128x128xf32, #tpu.memory_space<hbm>>)
    %dma_wait3A_309 = arith.constant 0 : i32
    %dma_wait3A_310 = tpu.memref_slice %arg11[%add3A_278, %dma_wait3A_309] : memref<16384x128xf32, #tpu.memory_space<hbm>> -> memref<128x128xf32, #tpu.memory_space<hbm>>
    %dma_wait3A_311 = arith.constant 0 : i32
    %dma_wait3A_312 = tpu.memref_slice %arg11[%add3A_278, %dma_wait3A_311] : memref<16384x128xf32, #tpu.memory_space<hbm>> -> memref<128x128xf32, #tpu.memory_space<hbm>>
    tpu.wait_dma2 semaphore(%arg23 : memref<!tpu.dma_semaphore, #tpu.memory_space<semaphore_mem>>) src(%arg15 : memref<128x128xf32, #tpu.memory_space<vmem>>) dst(%dma_wait3A_312 : memref<128x128xf32, #tpu.memory_space<hbm>>)
    %dma_wait3A_313 = arith.constant 0 : i32
    %dma_wait3A_314 = tpu.memref_slice %arg11[%add3A_289, %dma_wait3A_313] : memref<16384x128xf32, #tpu.memory_space<hbm>> -> memref<128x128xf32, #tpu.memory_space<hbm>>
    %dma_wait3A_315 = arith.constant 0 : i32
    %dma_wait3A_316 = tpu.memref_slice %arg11[%add3A_289, %dma_wait3A_315] : memref<16384x128xf32, #tpu.memory_space<hbm>> -> memref<128x128xf32, #tpu.memory_space<hbm>>
    tpu.wait_dma2 semaphore(%arg24 : memref<!tpu.dma_semaphore, #tpu.memory_space<semaphore_mem>>) src(%arg16 : memref<128x128xf32, #tpu.memory_space<vmem>>) dst(%dma_wait3A_316 : memref<128x128xf32, #tpu.memory_space<hbm>>)
    %dma_wait3A_317 = arith.constant 0 : i32
    %dma_wait3A_318 = tpu.memref_slice %arg11[%add3A_300, %dma_wait3A_317] : memref<16384x128xf32, #tpu.memory_space<hbm>> -> memref<128x128xf32, #tpu.memory_space<hbm>>
    %dma_wait3A_319 = arith.constant 0 : i32
    %dma_wait3A_320 = tpu.memref_slice %arg11[%add3A_300, %dma_wait3A_319] : memref<16384x128xf32, #tpu.memory_space<hbm>> -> memref<128x128xf32, #tpu.memory_space<hbm>>
    tpu.wait_dma2 semaphore(%arg25 : memref<!tpu.dma_semaphore, #tpu.memory_space<semaphore_mem>>) src(%arg17 : memref<128x128xf32, #tpu.memory_space<vmem>>) dst(%dma_wait3A_320 : memref<128x128xf32, #tpu.memory_space<hbm>>)
    return
  }
}

module attributes {stable_mosaic.version = 14 : i64} {
  func.func @_mlp_body(%arg0: i32, %arg1: memref<2048x128xf32, #tpu.memory_space<vmem>>, %arg2: memref<2048x128xf32, #tpu.memory_space<vmem>>, %arg3: memref<2048x128xf32, #tpu.memory_space<vmem>>, %arg4: memref<2048x128xf32, #tpu.memory_space<vmem>>, %arg5: memref<2048x1xi32, #tpu.memory_space<vmem>>, %arg6: memref<2048x1xi32, #tpu.memory_space<vmem>>, %arg7: memref<64x16xf32, #tpu.memory_space<vmem>>, %arg8: memref<64x16xf32, #tpu.memory_space<vmem>>, %arg9: memref<64x16xf32, #tpu.memory_space<vmem>>, %arg10: memref<64x16xf32, #tpu.memory_space<vmem>>, %arg11: memref<16x32xf32, #tpu.memory_space<vmem>>, %arg12: memref<16x32xf32, #tpu.memory_space<vmem>>, %arg13: memref<1x32xf32, #tpu.memory_space<vmem>>, %arg14: memref<32x16xf32, #tpu.memory_space<vmem>>, %arg15: memref<1x16xf32, #tpu.memory_space<vmem>>, %arg16: memref<1x16xf32, #tpu.memory_space<vmem>>, %arg17: memref<1x16xf32, #tpu.memory_space<vmem>>, %arg18: memref<1x1xf32, #tpu.memory_space<vmem>>, %arg19: memref<2048x1xf32, #tpu.memory_space<vmem>>) attributes {dimension_semantics = [#tpu.dimension_semantics<arbitrary>], iteration_bounds = array<i64: 8>, scalar_prefetch = 0 : i64, scratch_operands = 0 : i64, tpu.core_type = #tpu.core_type<tc>, window_params = [{transform_indices = @transform_0, window_bounds = array<i64: 2048, 128>}, {transform_indices = @transform_1, window_bounds = array<i64: 2048, 128>}, {transform_indices = @transform_2, window_bounds = array<i64: 2048, 128>}, {transform_indices = @transform_3, window_bounds = array<i64: 2048, 128>}, {transform_indices = @transform_4, window_bounds = array<i64: 2048, 1>}, {transform_indices = @transform_5, window_bounds = array<i64: 2048, 1>}, {pipeline_mode = #tpu.pipeline_mode<synchronous>, transform_indices = @transform_6, window_bounds = array<i64: 64, 16>}, {pipeline_mode = #tpu.pipeline_mode<synchronous>, transform_indices = @transform_7, window_bounds = array<i64: 64, 16>}, {pipeline_mode = #tpu.pipeline_mode<synchronous>, transform_indices = @transform_8, window_bounds = array<i64: 64, 16>}, {pipeline_mode = #tpu.pipeline_mode<synchronous>, transform_indices = @transform_9, window_bounds = array<i64: 64, 16>}, {pipeline_mode = #tpu.pipeline_mode<synchronous>, transform_indices = @transform_10, window_bounds = array<i64: 16, 32>}, {pipeline_mode = #tpu.pipeline_mode<synchronous>, transform_indices = @transform_11, window_bounds = array<i64: 16, 32>}, {pipeline_mode = #tpu.pipeline_mode<synchronous>, transform_indices = @transform_12, window_bounds = array<i64: 1, 32>}, {pipeline_mode = #tpu.pipeline_mode<synchronous>, transform_indices = @transform_13, window_bounds = array<i64: 32, 16>}, {pipeline_mode = #tpu.pipeline_mode<synchronous>, transform_indices = @transform_14, window_bounds = array<i64: 1, 16>}, {pipeline_mode = #tpu.pipeline_mode<synchronous>, transform_indices = @transform_15, window_bounds = array<i64: 1, 16>}, {pipeline_mode = #tpu.pipeline_mode<synchronous>, transform_indices = @transform_16, window_bounds = array<i64: 1, 16>}, {pipeline_mode = #tpu.pipeline_mode<synchronous>, transform_indices = @transform_17, window_bounds = array<i64: 1, 1>}, {transform_indices = @transform_18, window_bounds = array<i64: 2048, 1>}]} {
    %get3A = arith.constant 0 : index
    %get3A_0 = arith.constant 0 : index
    %get3A_1 = vector.load %arg5[%get3A, %get3A_0] : memref<2048x1xi32, #tpu.memory_space<vmem>>, vector<2048x1xi32>
    %and3A = arith.constant 7 : i32
    %and3A_2 = vector.broadcast %and3A : i32 to vector<2048x1xi32>
    %and3A_3 = arith.andi %get3A_1, %and3A_2 : vector<2048x1xi32>
    %get3A_4 = arith.constant 0 : index
    %get3A_5 = arith.constant 0 : index
    %get3A_6 = vector.load %arg6[%get3A_4, %get3A_5] : memref<2048x1xi32, #tpu.memory_space<vmem>>, vector<2048x1xi32>
    %and3A_7 = arith.constant 7 : i32
    %and3A_8 = vector.broadcast %and3A_7 : i32 to vector<2048x1xi32>
    %and3A_9 = arith.andi %get3A_6, %and3A_8 : vector<2048x1xi32>
    %iota3A = tpu.iota {dimensions = array<i32: 1>} : vector<2048x128xi32>
    %jit3A = arith.constant 16 : i32
    %div3A = vector.broadcast %jit3A : i32 to vector<2048x128xi32>
    %div3A_10 = arith.divsi %iota3A, %div3A : vector<2048x128xi32>
    %sign3A = arith.constant 0 : i32
    %sign3A_11 = vector.broadcast %sign3A : i32 to vector<2048x128xi32>
    %sign3A_12 = arith.cmpi sgt, %iota3A, %sign3A_11 : vector<2048x128xi32>
    %sign3A_13 = arith.extui %sign3A_12 : vector<2048x128xi1> to vector<2048x128xi32>
    %sign3A_14 = arith.constant 0 : i32
    %sign3A_15 = vector.broadcast %sign3A_14 : i32 to vector<2048x128xi32>
    %sign3A_16 = arith.cmpi slt, %iota3A, %sign3A_15 : vector<2048x128xi32>
    %sign3A_17 = arith.extui %sign3A_16 : vector<2048x128xi1> to vector<2048x128xi32>
    %sign3A_18 = arith.subi %sign3A_13, %sign3A_17 : vector<2048x128xi32>
    %sign3A_19 = arith.constant 0 : i32
    %sign3A_20 = arith.cmpi sgt, %jit3A, %sign3A_19 : i32
    %sign3A_21 = arith.extui %sign3A_20 : i1 to i32
    %sign3A_22 = arith.constant 0 : i32
    %sign3A_23 = arith.cmpi slt, %jit3A, %sign3A_22 : i32
    %sign3A_24 = arith.extui %sign3A_23 : i1 to i32
    %sign3A_25 = arith.subi %sign3A_21, %sign3A_24 : i32
    %ne3A = vector.broadcast %sign3A_25 : i32 to vector<2048x128xi32>
    %ne3A_26 = arith.cmpi ne, %sign3A_18, %ne3A : vector<2048x128xi32>
    %rem3A = vector.broadcast %jit3A : i32 to vector<2048x128xi32>
    %rem3A_27 = arith.remsi %iota3A, %rem3A : vector<2048x128xi32>
    %ne3A_28 = arith.constant 0 : i32
    %ne3A_29 = vector.broadcast %ne3A_28 : i32 to vector<2048x128xi32>
    %ne3A_30 = arith.cmpi ne, %rem3A_27, %ne3A_29 : vector<2048x128xi32>
    %and3A_31 = arith.andi %ne3A_26, %ne3A_30 : vector<2048x128xi1>
    %sub3A = arith.constant 1 : i32
    %sub3A_32 = vector.broadcast %sub3A : i32 to vector<2048x128xi32>
    %sub3A_33 = arith.subi %div3A_10, %sub3A_32 : vector<2048x128xi32>
    %select_n3A = arith.select %and3A_31, %sub3A_33, %div3A_10 : vector<2048x128xi1>, vector<2048x128xi32>
    %eq3A = vector.broadcast %and3A_3 : vector<2048x1xi32> to vector<2048x128xi32>
    %eq3A_34 = arith.cmpi eq, %select_n3A, %eq3A : vector<2048x128xi32>
    %convert_element_type3A = arith.extui %eq3A_34 : vector<2048x128xi1> to vector<2048x128xi32>
    %convert_element_type3A_35 = arith.sitofp %convert_element_type3A : vector<2048x128xi32> to vector<2048x128xf32>
    %eq3A_36 = vector.broadcast %and3A_9 : vector<2048x1xi32> to vector<2048x128xi32>
    %eq3A_37 = arith.cmpi eq, %select_n3A, %eq3A_36 : vector<2048x128xi32>
    %convert_element_type3A_38 = arith.extui %eq3A_37 : vector<2048x128xi1> to vector<2048x128xi32>
    %convert_element_type3A_39 = arith.sitofp %convert_element_type3A_38 : vector<2048x128xi32> to vector<2048x128xf32>
    %iota3A_40 = tpu.iota {dimensions = array<i32: 0>} : vector<128x16xi32>
    %jit3A_41 = arith.constant 16 : i32
    %eq3A_42 = arith.constant 0 : i32
    %eq3A_43 = arith.cmpi eq, %jit3A_41, %eq3A_42 : i32
    %jit3A_44 = arith.constant 1 : i32
    %select_n3A_45 = arith.select %eq3A_43, %jit3A_44, %jit3A_41 : i32
    %rem3A_46 = vector.broadcast %select_n3A_45 : i32 to vector<128x16xi32>
    %rem3A_47 = arith.remsi %iota3A_40, %rem3A_46 : vector<128x16xi32>
    %ne3A_48 = arith.constant 0 : i32
    %ne3A_49 = vector.broadcast %ne3A_48 : i32 to vector<128x16xi32>
    %ne3A_50 = arith.cmpi ne, %rem3A_47, %ne3A_49 : vector<128x16xi32>
    %lt3A = arith.constant 0 : i32
    %lt3A_51 = vector.broadcast %lt3A : i32 to vector<128x16xi32>
    %lt3A_52 = arith.cmpi slt, %rem3A_47, %lt3A_51 : vector<128x16xi32>
    %lt3A_53 = arith.constant 0 : i32
    %lt3A_54 = arith.cmpi slt, %select_n3A_45, %lt3A_53 : i32
    %ne3A_55 = vector.broadcast %lt3A_54 : i1 to vector<128x16xi1>
    %ne3A_56 = vector.broadcast %ne3A_55 : vector<128x16xi1> to vector<128x16xi1>
    %ne3A_57 = arith.xori %lt3A_52, %ne3A_56 : vector<128x16xi1>
    %and3A_58 = arith.andi %ne3A_57, %ne3A_50 : vector<128x16xi1>
    %add3A = vector.broadcast %select_n3A_45 : i32 to vector<128x16xi32>
    %add3A_59 = arith.addi %rem3A_47, %add3A : vector<128x16xi32>
    %select_n3A_60 = arith.select %and3A_58, %add3A_59, %rem3A_47 : vector<128x16xi1>, vector<128x16xi32>
    %iota3A_61 = tpu.iota {dimensions = array<i32: 1>} : vector<128x16xi32>
    %eq3A_62 = arith.cmpi eq, %select_n3A_60, %iota3A_61 : vector<128x16xi32>
    %convert_element_type3A_63 = arith.extui %eq3A_62 : vector<128x16xi1> to vector<128x16xi32>
    %convert_element_type3A_64 = arith.sitofp %convert_element_type3A_63 : vector<128x16xi32> to vector<128x16xf32>
    %get3A_65 = arith.constant 0 : index
    %get3A_66 = arith.constant 0 : index
    %get3A_67 = vector.load %arg1[%get3A_65, %get3A_66] : memref<2048x128xf32, #tpu.memory_space<vmem>>, vector<2048x128xf32>
    %mul3A = arith.mulf %get3A_67, %convert_element_type3A_35 : vector<2048x128xf32>
    %dot_general3A = arith.constant dense<0.000000e+00> : vector<2048x16xf32>
    %dot_general3A_68 = tpu.matmul %mul3A, %convert_element_type3A_64, %dot_general3A {dimension_numbers = #tpu.dot_dimension_numbers<[1], [0], [0], [1], [0, 0, 1, 1], [], []>, precision = #tpu.contract_precision<fp32>, transpose_lhs_hint = false} : vector<2048x128xf32>, vector<128x16xf32>, vector<2048x16xf32> -> vector<2048x16xf32>
    %get3A_69 = arith.constant 0 : index
    %get3A_70 = arith.constant 0 : index
    %get3A_71 = vector.load %arg2[%get3A_69, %get3A_70] : memref<2048x128xf32, #tpu.memory_space<vmem>>, vector<2048x128xf32>
    %mul3A_72 = arith.mulf %get3A_71, %convert_element_type3A_39 : vector<2048x128xf32>
    %dot_general3A_73 = arith.constant dense<0.000000e+00> : vector<2048x16xf32>
    %dot_general3A_74 = tpu.matmul %mul3A_72, %convert_element_type3A_64, %dot_general3A_73 {dimension_numbers = #tpu.dot_dimension_numbers<[1], [0], [0], [1], [0, 0, 1, 1], [], []>, precision = #tpu.contract_precision<fp32>, transpose_lhs_hint = false} : vector<2048x128xf32>, vector<128x16xf32>, vector<2048x16xf32> -> vector<2048x16xf32>
    %get3A_75 = arith.constant 0 : index
    %get3A_76 = arith.constant 0 : index
    %get3A_77 = vector.load %arg3[%get3A_75, %get3A_76] : memref<2048x128xf32, #tpu.memory_space<vmem>>, vector<2048x128xf32>
    %mul3A_78 = arith.mulf %get3A_77, %convert_element_type3A_35 : vector<2048x128xf32>
    %dot_general3A_79 = arith.constant dense<0.000000e+00> : vector<2048x16xf32>
    %dot_general3A_80 = tpu.matmul %mul3A_78, %convert_element_type3A_64, %dot_general3A_79 {dimension_numbers = #tpu.dot_dimension_numbers<[1], [0], [0], [1], [0, 0, 1, 1], [], []>, precision = #tpu.contract_precision<fp32>, transpose_lhs_hint = false} : vector<2048x128xf32>, vector<128x16xf32>, vector<2048x16xf32> -> vector<2048x16xf32>
    %get3A_81 = arith.constant 0 : index
    %get3A_82 = arith.constant 0 : index
    %get3A_83 = vector.load %arg4[%get3A_81, %get3A_82] : memref<2048x128xf32, #tpu.memory_space<vmem>>, vector<2048x128xf32>
    %mul3A_84 = arith.mulf %get3A_83, %convert_element_type3A_39 : vector<2048x128xf32>
    %dot_general3A_85 = arith.constant dense<0.000000e+00> : vector<2048x16xf32>
    %dot_general3A_86 = tpu.matmul %mul3A_84, %convert_element_type3A_64, %dot_general3A_85 {dimension_numbers = #tpu.dot_dimension_numbers<[1], [0], [0], [1], [0, 0, 1, 1], [], []>, precision = #tpu.contract_precision<fp32>, transpose_lhs_hint = false} : vector<2048x128xf32>, vector<128x16xf32>, vector<2048x16xf32> -> vector<2048x16xf32>
    %iota3A_87 = tpu.iota {dimensions = array<i32: 1>} : vector<2048x64xi32>
    %get3A_88 = arith.constant 0 : index
    %get3A_89 = arith.constant 0 : index
    %get3A_90 = vector.load %arg5[%get3A_88, %get3A_89] : memref<2048x1xi32, #tpu.memory_space<vmem>>, vector<2048x1xi32>
    %sub3A_91 = arith.constant 999936 : i32
    %sub3A_92 = vector.broadcast %sub3A_91 : i32 to vector<2048x1xi32>
    %sub3A_93 = arith.subi %get3A_90, %sub3A_92 : vector<2048x1xi32>
    %eq3A_94 = vector.broadcast %sub3A_93 : vector<2048x1xi32> to vector<2048x64xi32>
    %eq3A_95 = arith.cmpi eq, %iota3A_87, %eq3A_94 : vector<2048x64xi32>
    %convert_element_type3A_96 = arith.extui %eq3A_95 : vector<2048x64xi1> to vector<2048x64xi32>
    %convert_element_type3A_97 = arith.sitofp %convert_element_type3A_96 : vector<2048x64xi32> to vector<2048x64xf32>
    %get3A_98 = arith.constant 0 : index
    %get3A_99 = arith.constant 0 : index
    %get3A_100 = vector.load %arg6[%get3A_98, %get3A_99] : memref<2048x1xi32, #tpu.memory_space<vmem>>, vector<2048x1xi32>
    %sub3A_101 = arith.constant 999936 : i32
    %sub3A_102 = vector.broadcast %sub3A_101 : i32 to vector<2048x1xi32>
    %sub3A_103 = arith.subi %get3A_100, %sub3A_102 : vector<2048x1xi32>
    %eq3A_104 = vector.broadcast %sub3A_103 : vector<2048x1xi32> to vector<2048x64xi32>
    %eq3A_105 = arith.cmpi eq, %iota3A_87, %eq3A_104 : vector<2048x64xi32>
    %convert_element_type3A_106 = arith.extui %eq3A_105 : vector<2048x64xi1> to vector<2048x64xi32>
    %convert_element_type3A_107 = arith.sitofp %convert_element_type3A_106 : vector<2048x64xi32> to vector<2048x64xf32>
    %get3A_108 = arith.constant 0 : index
    %get3A_109 = arith.constant 0 : index
    %get3A_110 = vector.load %arg5[%get3A_108, %get3A_109] : memref<2048x1xi32, #tpu.memory_space<vmem>>, vector<2048x1xi32>
    %ge3A = arith.constant 999936 : i32
    %ge3A_111 = vector.broadcast %ge3A : i32 to vector<2048x1xi32>
    %ge3A_112 = arith.cmpi sge, %get3A_110, %ge3A_111 : vector<2048x1xi32>
    %get3A_113 = arith.constant 0 : index
    %get3A_114 = arith.constant 0 : index
    %get3A_115 = vector.load %arg6[%get3A_113, %get3A_114] : memref<2048x1xi32, #tpu.memory_space<vmem>>, vector<2048x1xi32>
    %ge3A_116 = arith.constant 999936 : i32
    %ge3A_117 = vector.broadcast %ge3A_116 : i32 to vector<2048x1xi32>
    %ge3A_118 = arith.cmpi sge, %get3A_115, %ge3A_117 : vector<2048x1xi32>
    %get3A_119 = arith.constant 0 : index
    %get3A_120 = arith.constant 0 : index
    %get3A_121 = vector.load %arg7[%get3A_119, %get3A_120] : memref<64x16xf32, #tpu.memory_space<vmem>>, vector<64x16xf32>
    %dot_general3A_122 = arith.constant dense<0.000000e+00> : vector<2048x16xf32>
    %dot_general3A_123 = tpu.matmul %convert_element_type3A_97, %get3A_121, %dot_general3A_122 {dimension_numbers = #tpu.dot_dimension_numbers<[1], [0], [0], [1], [0, 0, 1, 1], [], []>, precision = #tpu.contract_precision<fp32>, transpose_lhs_hint = false} : vector<2048x64xf32>, vector<64x16xf32>, vector<2048x16xf32> -> vector<2048x16xf32>
    %broadcast_in_dim3A = vector.shape_cast %ge3A_112 : vector<2048x1xi1> to vector<2048x1xi1>
    %broadcast_in_dim3A_124 = vector.broadcast %broadcast_in_dim3A : vector<2048x1xi1> to vector<2048x16xi1>
    %select_n3A_125 = arith.select %broadcast_in_dim3A_124, %dot_general3A_123, %dot_general3A_68 : vector<2048x16xi1>, vector<2048x16xf32>
    %get3A_126 = arith.constant 0 : index
    %get3A_127 = arith.constant 0 : index
    %get3A_128 = vector.load %arg9[%get3A_126, %get3A_127] : memref<64x16xf32, #tpu.memory_space<vmem>>, vector<64x16xf32>
    %dot_general3A_129 = arith.constant dense<0.000000e+00> : vector<2048x16xf32>
    %dot_general3A_130 = tpu.matmul %convert_element_type3A_97, %get3A_128, %dot_general3A_129 {dimension_numbers = #tpu.dot_dimension_numbers<[1], [0], [0], [1], [0, 0, 1, 1], [], []>, precision = #tpu.contract_precision<fp32>, transpose_lhs_hint = false} : vector<2048x64xf32>, vector<64x16xf32>, vector<2048x16xf32> -> vector<2048x16xf32>
    %broadcast_in_dim3A_131 = vector.shape_cast %ge3A_112 : vector<2048x1xi1> to vector<2048x1xi1>
    %broadcast_in_dim3A_132 = vector.broadcast %broadcast_in_dim3A_131 : vector<2048x1xi1> to vector<2048x16xi1>
    %select_n3A_133 = arith.select %broadcast_in_dim3A_132, %dot_general3A_130, %dot_general3A_80 : vector<2048x16xi1>, vector<2048x16xf32>
    %get3A_134 = arith.constant 0 : index
    %get3A_135 = arith.constant 0 : index
    %get3A_136 = vector.load %arg8[%get3A_134, %get3A_135] : memref<64x16xf32, #tpu.memory_space<vmem>>, vector<64x16xf32>
    %dot_general3A_137 = arith.constant dense<0.000000e+00> : vector<2048x16xf32>
    %dot_general3A_138 = tpu.matmul %convert_element_type3A_107, %get3A_136, %dot_general3A_137 {dimension_numbers = #tpu.dot_dimension_numbers<[1], [0], [0], [1], [0, 0, 1, 1], [], []>, precision = #tpu.contract_precision<fp32>, transpose_lhs_hint = false} : vector<2048x64xf32>, vector<64x16xf32>, vector<2048x16xf32> -> vector<2048x16xf32>
    %broadcast_in_dim3A_139 = vector.shape_cast %ge3A_118 : vector<2048x1xi1> to vector<2048x1xi1>
    %broadcast_in_dim3A_140 = vector.broadcast %broadcast_in_dim3A_139 : vector<2048x1xi1> to vector<2048x16xi1>
    %select_n3A_141 = arith.select %broadcast_in_dim3A_140, %dot_general3A_138, %dot_general3A_74 : vector<2048x16xi1>, vector<2048x16xf32>
    %get3A_142 = arith.constant 0 : index
    %get3A_143 = arith.constant 0 : index
    %get3A_144 = vector.load %arg10[%get3A_142, %get3A_143] : memref<64x16xf32, #tpu.memory_space<vmem>>, vector<64x16xf32>
    %dot_general3A_145 = arith.constant dense<0.000000e+00> : vector<2048x16xf32>
    %dot_general3A_146 = tpu.matmul %convert_element_type3A_107, %get3A_144, %dot_general3A_145 {dimension_numbers = #tpu.dot_dimension_numbers<[1], [0], [0], [1], [0, 0, 1, 1], [], []>, precision = #tpu.contract_precision<fp32>, transpose_lhs_hint = false} : vector<2048x64xf32>, vector<64x16xf32>, vector<2048x16xf32> -> vector<2048x16xf32>
    %broadcast_in_dim3A_147 = vector.shape_cast %ge3A_118 : vector<2048x1xi1> to vector<2048x1xi1>
    %broadcast_in_dim3A_148 = vector.broadcast %broadcast_in_dim3A_147 : vector<2048x1xi1> to vector<2048x16xi1>
    %select_n3A_149 = arith.select %broadcast_in_dim3A_148, %dot_general3A_146, %dot_general3A_86 : vector<2048x16xi1>, vector<2048x16xf32>
    %mul3A_150 = arith.mulf %select_n3A_125, %select_n3A_141 : vector<2048x16xf32>
    %get3A_151 = arith.constant 0 : index
    %get3A_152 = arith.constant 0 : index
    %get3A_153 = vector.load %arg11[%get3A_151, %get3A_152] : memref<16x32xf32, #tpu.memory_space<vmem>>, vector<16x32xf32>
    %dot_general3A_154 = arith.constant dense<0.000000e+00> : vector<2048x32xf32>
    %dot_general3A_155 = tpu.matmul %select_n3A_133, %get3A_153, %dot_general3A_154 {dimension_numbers = #tpu.dot_dimension_numbers<[1], [0], [0], [1], [0, 0, 1, 1], [], []>, precision = #tpu.contract_precision<fp32>, transpose_lhs_hint = false} : vector<2048x16xf32>, vector<16x32xf32>, vector<2048x32xf32> -> vector<2048x32xf32>
    %get3A_156 = arith.constant 0 : index
    %get3A_157 = arith.constant 0 : index
    %get3A_158 = vector.load %arg12[%get3A_156, %get3A_157] : memref<16x32xf32, #tpu.memory_space<vmem>>, vector<16x32xf32>
    %dot_general3A_159 = arith.constant dense<0.000000e+00> : vector<2048x32xf32>
    %dot_general3A_160 = tpu.matmul %select_n3A_149, %get3A_158, %dot_general3A_159 {dimension_numbers = #tpu.dot_dimension_numbers<[1], [0], [0], [1], [0, 0, 1, 1], [], []>, precision = #tpu.contract_precision<fp32>, transpose_lhs_hint = false} : vector<2048x16xf32>, vector<16x32xf32>, vector<2048x32xf32> -> vector<2048x32xf32>
    %add3A_161 = arith.addf %dot_general3A_155, %dot_general3A_160 : vector<2048x32xf32>
    %get3A_162 = arith.constant 0 : index
    %get3A_163 = arith.constant 0 : index
    %get3A_164 = vector.load %arg13[%get3A_162, %get3A_163] : memref<1x32xf32, #tpu.memory_space<vmem>>, vector<1x32xf32>
    %add3A_165 = vector.broadcast %get3A_164 : vector<1x32xf32> to vector<2048x32xf32>
    %add3A_166 = arith.addf %add3A_161, %add3A_165 : vector<2048x32xf32>
    %max3A = arith.constant 0.000000e+00 : f32
    %max3A_167 = vector.broadcast %max3A : f32 to vector<2048x32xf32>
    %max3A_168 = arith.maximumf %add3A_166, %max3A_167 : vector<2048x32xf32>
    %get3A_169 = arith.constant 0 : index
    %get3A_170 = arith.constant 0 : index
    %get3A_171 = vector.load %arg14[%get3A_169, %get3A_170] : memref<32x16xf32, #tpu.memory_space<vmem>>, vector<32x16xf32>
    %dot_general3A_172 = arith.constant dense<0.000000e+00> : vector<2048x16xf32>
    %dot_general3A_173 = tpu.matmul %max3A_168, %get3A_171, %dot_general3A_172 {dimension_numbers = #tpu.dot_dimension_numbers<[1], [0], [0], [1], [0, 0, 1, 1], [], []>, precision = #tpu.contract_precision<fp32>, transpose_lhs_hint = false} : vector<2048x32xf32>, vector<32x16xf32>, vector<2048x16xf32> -> vector<2048x16xf32>
    %get3A_174 = arith.constant 0 : index
    %get3A_175 = arith.constant 0 : index
    %get3A_176 = vector.load %arg15[%get3A_174, %get3A_175] : memref<1x16xf32, #tpu.memory_space<vmem>>, vector<1x16xf32>
    %add3A_177 = vector.broadcast %get3A_176 : vector<1x16xf32> to vector<2048x16xf32>
    %add3A_178 = arith.addf %dot_general3A_173, %add3A_177 : vector<2048x16xf32>
    %max3A_179 = arith.constant 0.000000e+00 : f32
    %max3A_180 = vector.broadcast %max3A_179 : f32 to vector<2048x16xf32>
    %max3A_181 = arith.maximumf %add3A_178, %max3A_180 : vector<2048x16xf32>
    %get3A_182 = arith.constant 0 : index
    %get3A_183 = arith.constant 0 : index
    %get3A_184 = vector.load %arg16[%get3A_182, %get3A_183] : memref<1x16xf32, #tpu.memory_space<vmem>>, vector<1x16xf32>
    %mul3A_185 = vector.broadcast %get3A_184 : vector<1x16xf32> to vector<2048x16xf32>
    %mul3A_186 = arith.mulf %max3A_181, %mul3A_185 : vector<2048x16xf32>
    %reduce_sum3A = arith.constant dense<0.000000e+00> : vector<2048xf32>
    %reduce_sum3A_187 = vector.multi_reduction <add>, %mul3A_186, %reduce_sum3A [1] : vector<2048x16xf32> to vector<2048xf32>
    %broadcast_in_dim3A_188 = vector.shape_cast %reduce_sum3A_187 : vector<2048xf32> to vector<2048x1xf32>
    %get3A_189 = arith.constant 0 : index
    %get3A_190 = arith.constant 0 : index
    %get3A_191 = vector.load %arg17[%get3A_189, %get3A_190] : memref<1x16xf32, #tpu.memory_space<vmem>>, vector<1x16xf32>
    %mul3A_192 = vector.broadcast %get3A_191 : vector<1x16xf32> to vector<2048x16xf32>
    %mul3A_193 = arith.mulf %mul3A_150, %mul3A_192 : vector<2048x16xf32>
    %reduce_sum3A_194 = arith.constant dense<0.000000e+00> : vector<2048xf32>
    %reduce_sum3A_195 = vector.multi_reduction <add>, %mul3A_193, %reduce_sum3A_194 [1] : vector<2048x16xf32> to vector<2048xf32>
    %broadcast_in_dim3A_196 = vector.shape_cast %reduce_sum3A_195 : vector<2048xf32> to vector<2048x1xf32>
    %add3A_197 = arith.addf %broadcast_in_dim3A_188, %broadcast_in_dim3A_196 : vector<2048x1xf32>
    %get3A_198 = arith.constant 0 : index
    %get3A_199 = arith.constant 0 : index
    %get3A_200 = vector.load %arg18[%get3A_198, %get3A_199] : memref<1x1xf32, #tpu.memory_space<vmem>>, vector<1x1xf32>
    %add3A_201 = vector.broadcast %get3A_200 : vector<1x1xf32> to vector<2048x1xf32>
    %add3A_202 = arith.addf %add3A_197, %add3A_201 : vector<2048x1xf32>
    %max3A_203 = arith.constant 0.000000e+00 : f32
    %max3A_204 = vector.broadcast %max3A_203 : f32 to vector<2048x1xf32>
    %max3A_205 = arith.maximumf %add3A_202, %max3A_204 : vector<2048x1xf32>
    %swap3A = arith.constant 0 : index
    %swap3A_206 = arith.constant 0 : index
    %swap3A_207 = vector.load %arg19[%swap3A, %swap3A_206] : memref<2048x1xf32, #tpu.memory_space<vmem>>, vector<2048x1xf32>
    tpu.vector_store %arg19[%swap3A, %swap3A_206], %max3A_205 {strides = array<i32>} : memref<2048x1xf32, #tpu.memory_space<vmem>>, vector<2048x1xf32>,
    return
  }
  func.func @transform_0(%arg0: i32) -> (i32, i32) {
    %c0_i32 = arith.constant 0 : i32
    %c0_i32_0 = arith.constant 0 : i32
    return %arg0, %c0_i32 : i32, i32
  }
  func.func @transform_1(%arg0: i32) -> (i32, i32) {
    %c0_i32 = arith.constant 0 : i32
    %c0_i32_0 = arith.constant 0 : i32
    return %arg0, %c0_i32 : i32, i32
  }
  func.func @transform_2(%arg0: i32) -> (i32, i32) {
    %c0_i32 = arith.constant 0 : i32
    %c0_i32_0 = arith.constant 0 : i32
    return %arg0, %c0_i32 : i32, i32
  }
  func.func @transform_3(%arg0: i32) -> (i32, i32) {
    %c0_i32 = arith.constant 0 : i32
    %c0_i32_0 = arith.constant 0 : i32
    return %arg0, %c0_i32 : i32, i32
  }
  func.func @transform_4(%arg0: i32) -> (i32, i32) {
    %c0_i32 = arith.constant 0 : i32
    %c0_i32_0 = arith.constant 0 : i32
    return %arg0, %c0_i32 : i32, i32
  }
  func.func @transform_5(%arg0: i32) -> (i32, i32) {
    %c0_i32 = arith.constant 0 : i32
    %c0_i32_0 = arith.constant 0 : i32
    return %arg0, %c0_i32 : i32, i32
  }
  func.func @transform_6(%arg0: i32) -> (i32, i32) {
    %c0_i32 = arith.constant 0 : i32
    %c0_i32_0 = arith.constant 0 : i32
    %c0_i32_1 = arith.constant 0 : i32
    return %c0_i32, %c0_i32_0 : i32, i32
  }
  func.func @transform_7(%arg0: i32) -> (i32, i32) {
    %c0_i32 = arith.constant 0 : i32
    %c0_i32_0 = arith.constant 0 : i32
    %c0_i32_1 = arith.constant 0 : i32
    return %c0_i32, %c0_i32_0 : i32, i32
  }
  func.func @transform_8(%arg0: i32) -> (i32, i32) {
    %c0_i32 = arith.constant 0 : i32
    %c0_i32_0 = arith.constant 0 : i32
    %c0_i32_1 = arith.constant 0 : i32
    return %c0_i32, %c0_i32_0 : i32, i32
  }
  func.func @transform_9(%arg0: i32) -> (i32, i32) {
    %c0_i32 = arith.constant 0 : i32
    %c0_i32_0 = arith.constant 0 : i32
    %c0_i32_1 = arith.constant 0 : i32
    return %c0_i32, %c0_i32_0 : i32, i32
  }
  func.func @transform_10(%arg0: i32) -> (i32, i32) {
    %c0_i32 = arith.constant 0 : i32
    %c0_i32_0 = arith.constant 0 : i32
    %c0_i32_1 = arith.constant 0 : i32
    return %c0_i32, %c0_i32_0 : i32, i32
  }
  func.func @transform_11(%arg0: i32) -> (i32, i32) {
    %c0_i32 = arith.constant 0 : i32
    %c0_i32_0 = arith.constant 0 : i32
    %c0_i32_1 = arith.constant 0 : i32
    return %c0_i32, %c0_i32_0 : i32, i32
  }
  func.func @transform_12(%arg0: i32) -> (i32, i32) {
    %c0_i32 = arith.constant 0 : i32
    %c0_i32_0 = arith.constant 0 : i32
    %c0_i32_1 = arith.constant 0 : i32
    return %c0_i32, %c0_i32_0 : i32, i32
  }
  func.func @transform_13(%arg0: i32) -> (i32, i32) {
    %c0_i32 = arith.constant 0 : i32
    %c0_i32_0 = arith.constant 0 : i32
    %c0_i32_1 = arith.constant 0 : i32
    return %c0_i32, %c0_i32_0 : i32, i32
  }
  func.func @transform_14(%arg0: i32) -> (i32, i32) {
    %c0_i32 = arith.constant 0 : i32
    %c0_i32_0 = arith.constant 0 : i32
    %c0_i32_1 = arith.constant 0 : i32
    return %c0_i32, %c0_i32_0 : i32, i32
  }
  func.func @transform_15(%arg0: i32) -> (i32, i32) {
    %c0_i32 = arith.constant 0 : i32
    %c0_i32_0 = arith.constant 0 : i32
    %c0_i32_1 = arith.constant 0 : i32
    return %c0_i32, %c0_i32_0 : i32, i32
  }
  func.func @transform_16(%arg0: i32) -> (i32, i32) {
    %c0_i32 = arith.constant 0 : i32
    %c0_i32_0 = arith.constant 0 : i32
    %c0_i32_1 = arith.constant 0 : i32
    return %c0_i32, %c0_i32_0 : i32, i32
  }
  func.func @transform_17(%arg0: i32) -> (i32, i32) {
    %c0_i32 = arith.constant 0 : i32
    %c0_i32_0 = arith.constant 0 : i32
    %c0_i32_1 = arith.constant 0 : i32
    return %c0_i32, %c0_i32_0 : i32, i32
  }
  func.func @transform_18(%arg0: i32) -> (i32, i32) {
    %c0_i32 = arith.constant 0 : i32
    %c0_i32_0 = arith.constant 0 : i32
    return %arg0, %c0_i32 : i32, i32
  }
}

</mosaic_0001>

<sc_bundles>
// kernel: kernel.4.cloned.1.call-start
scs
__scs_entry_jumppad:
0x0: {  	(pc) =	sbr.rel $0x88, $3  }
0x1: {  	(tag) =	ssettag $0x0;
	lr =	simm.s32 $0x1  }
0x2: {  	[smem:$0x3F95] =	sst lr;
	_ =	strace $0xD0000000  }
0x3: {  	_ = 	snop  }
0x4: {  	_ = 	snop  }
0x5: {  	_ = 	snop  }
0x6: {  	_ = 	snop  }
0x7: {  	_ = 	snop  }
__scs_overlays_trampoline_lowered:
0x8: {  	[smem:$0x3FA4] =	sst s0  }
0x9: {  	[smem:$0x3FA5] =	sst s1  }
0xa: {  	[smem:$0x3FA6] =	sst s2  }
0xb: {  	[smem:$0x3FA7] =	sst s3  }
0xc: {  	[smem:$0x3FA8] =	sst s4  }
0xd: {  	[smem:$0x3FA9] =	sst s5  }
0xe: {  	[smem:$0x3FAA] =	sst s6  }
0xf: {  	[smem:$0x3FAB] =	sst s7  }
0x10: {  	[smem:$0x3FAC] =	sst s8  }
0x11: {  	[smem:$0x3FAD] =	sst s9;
	s0 =	simm.s32 @!p0 $0x0  }
0x12: {  	s1 =	sld [smem:$0x3F93];
	s0 =	simm.s32 @p0 $0x1  }
0x13: {  	[smem:$0x3FAE] =	sst s0;
	s0 =	simm.s32 @!p1 $0x0  }
0x14: {  	s2 =	sld [smem:$0x3F92];
	s0 =	simm.s32 @p1 $0x1  }
0x15: {  	[smem:$0x3FAF] =	sst s0;
	s0 =	simm.s32 @!p2 $0x0  }
0x16: {  	s3 =	sld [smem:$0x3FDB];
	s0 =	simm.s32 @p2 $0x1  }
0x17: {  	s4 =	simm.s32 $0x1BF5;
	[smem:$0x3FB1] =	sst s0  }
0x18: {  	s0 =	sld [smem:$0x3F94];
	_ =	swait.ge [sflag:s4], $0x0  }
0x19: {  	s7 =	sld [smem:$0x3F95]  }
0x1a: {  	s8 =	sadd.s32 $0xFFFFE003, lr  }
0x1b: {  	s9 =	sadd.s32 $0xFFFFFEF7, lr;
	s5 =	simm.s32 $0xFFFFFFFF;
	p2 =	slt.u32 s8, $0xFFFFF086  }
0x1c: {  	p1 =	slt.u32 s9, $0xF7A;
	s5 =	simm.s32 @!p2 $0x0  }
0x1d: {  	s5 =	simm.s32 @p1 $0x1;
	p0 =	seq.s32 s7, s2  }
0x1e: {  	s7 =	smul.u32 @!p0 $0xF7A, s2;
	p2 =	seq.s32 @!p0 s5, $0x0  }
0x1f: {  	s9 =	smul.u32 $0xF7A, s1;
	s8 =	simm.s32 @!p0 $0x1BF5;
	p2 =	por !p2, p0  }
0x20: {  	[sflag:s8] =	ssyncset.s32 @!p0 $0xFFFFF086;
	s6 =	sadd.s32 @!p0 s3, s7;
	s7 =	simm.s32 @!p0 $0x108  }
0x21: {  	s3 =	sadd.s32 s3, s9;
	s6 =	sadd.s32 @!p0 $0x88, s6;
	s7 =	simm.s32 @p2 $0x1082  }
0x22: {  	[simem:s7], [sflag:s8] =	dma.local @!p0 [hbm:s6], $0xF7A  }
0x23: {  	s9 =	sor.u32 $0xD0000000, s2;
	s6 =	simm.s32 $0x108;
	_ =	swait.ge @!p0 [sflag:s8], $0x0  }
0x24: {  	s3 =	sadd.s32 $0x88, s3;
	s6 =	simm.s32 @!p1 $0x1082;
	[sflag:s4] =	ssyncset.s32 $0xFFFFF086  }
0x25: {  	[simem:s6], [sflag:s4] =	dma.local [hbm:s3], $0xF7A  }
0x26: {  	[smem:$0x3F95] =	sst s1;
	(tag) =	ssettag s2;
	_ =	strace s9  }
0x27: {  	s1 =	sld [smem:$0x3FA5]  }
0x28: {  	s2 =	sld [smem:$0x3FA6]  }
0x29: {  	s4 =	sld [smem:$0x3FA8]  }
0x2a: {  	p0 =	seq.s32 s5, $0x0;
	s5 =	sld [smem:$0x3FA9]  }
0x2b: {  	s6 =	sld [smem:$0x3FAA]  }
0x2c: {  	s7 =	sld [smem:$0x3FAB]  }
0x2d: {  	s3 =	simm.s32 $0x108;
	s8 =	sld [smem:$0x3FAC]  }
0x2e: {  	s3 =	simm.s32 @!p0 $0x1082;
	s9 =	sld [smem:$0x3FAD]  }
0x2f: {  	lr =	sadd.s32 s0, s3;
	s0 =	sld [smem:$0x3FA4]  }
0x30: {  	s3 =	sld [smem:$0x3FA7]  }
0x31: {  	[smem:$0x3FB0] =	sst s10  }
0x32: {  	s10 =	sld [smem:$0x3FAE];
	_ =	sdelay $0x3  }
0x33: {  	p0 =	seq.s32 s10, $0x1;
	s10 =	sld [smem:$0x3FB0];
	_ =	sdelay $0x3  }
0x34: {  	[smem:$0x3FB0] =	sst s10  }
0x35: {  	s10 =	sld [smem:$0x3FAF];
	_ =	sdelay $0x3  }
0x36: {  	p1 =	seq.s32 s10, $0x1;
	s10 =	sld [smem:$0x3FB0];
	_ =	sdelay $0x3  }
0x37: {  	[smem:$0x3FB0] =	sst s10  }
0x38: {  	s10 =	sld [smem:$0x3FB1]  }
0x39: {  	_ = 	snop;
	(pc) =	sbr.ind lr, $3  }
0x3a: {  	_ = 	snop  }
0x3b: {  	_ = 	snop  }
0x3c: {  	p2 =	seq.s32 s10, $0x1;
	s10 =	sld [smem:$0x3FB0]  }
0x3d: {  	_ =	shalt  }
0x3e: {  	_ =	shalt  }
0x3f: {  	_ =	shalt  }
0x40: {  	_ =	shalt  }
0x41: {  	_ =	shalt  }
0x42: {  	_ =	shalt  }
0x43: {  	_ =	shalt  }
0x44: {  	_ =	shalt  }
0x45: {  	_ =	shalt  }
0x46: {  	_ =	shalt  }
0x47: {  	_ =	shalt  }
0x48: {  	_ =	shalt  }
0x49: {  	_ =	shalt  }
0x4a: {  	_ =	shalt  }
0x4b: {  	_ =	shalt  }
0x4c: {  	_ =	shalt  }
0x4d: {  	_ =	shalt  }
0x4e: {  	_ =	shalt  }
0x4f: {  	_ =	shalt  }
0x50: {  	_ =	shalt  }
0x51: {  	_ =	shalt  }
0x52: {  	_ =	shalt  }
0x53: {  	_ =	shalt  }
0x54: {  	_ =	shalt  }
0x55: {  	_ =	shalt  }
0x56: {  	_ =	shalt  }
0x57: {  	_ =	shalt  }
0x58: {  	_ =	shalt  }
0x59: {  	_ =	shalt  }
0x5a: {  	_ =	shalt  }
0x5b: {  	_ =	shalt  }
0x5c: {  	_ =	shalt  }
0x5d: {  	_ =	shalt  }
0x5e: {  	_ =	shalt  }
0x5f: {  	_ =	shalt  }
0x60: {  	_ =	shalt  }
0x61: {  	_ =	shalt  }
0x62: {  	_ =	shalt  }
0x63: {  	_ =	shalt  }
0x64: {  	_ =	shalt  }
0x65: {  	_ =	shalt  }
0x66: {  	_ =	shalt  }
0x67: {  	_ =	shalt  }
0x68: {  	_ =	shalt  }
0x69: {  	_ =	shalt  }
0x6a: {  	_ =	shalt  }
0x6b: {  	_ =	shalt  }
0x6c: {  	_ =	shalt  }
0x6d: {  	_ =	shalt  }
0x6e: {  	_ =	shalt  }
0x6f: {  	_ =	shalt  }
0x70: {  	_ =	shalt  }
0x71: {  	_ =	shalt  }
0x72: {  	_ =	shalt  }
0x73: {  	_ =	shalt  }
0x74: {  	_ =	shalt  }
0x75: {  	_ =	shalt  }
0x76: {  	_ =	shalt  }
0x77: {  	_ =	shalt  }
0x78: {  	_ =	shalt  }
0x79: {  	_ =	shalt  }
0x7a: {  	_ =	shalt  }
0x7b: {  	_ =	shalt  }
0x7c: {  	_ =	shalt  }
0x7d: {  	_ =	shalt  }
0x7e: {  	_ =	shalt  }
0x7f: {  	_ =	shalt  }
0x80: {  	_ =	shalt  }
0x81: {  	_ =	shalt  }
0x82: {  	_ =	shalt  }
0x83: {  	_ =	shalt  }
0x84: {  	_ =	shalt  }
0x85: {  	_ =	shalt  }
0x86: {  	_ =	shalt  }
0x87: {  	_ =	shalt  }
.Lfunc_end0:
.L_simem_size_0:
called_computation_lowered:
.L_overlay_start_0:
0x88: {  	s2 =	sld [smem:$0x3FD9]  }
0x89: {  	s3 =	sld [smem:$0x3FFE];
	_ =	sdelay $0x1  }
0x8a: {  	s1 =	srdreg.scid  }
0x8b: {  	s0 =	sand.u32 $0x1, s1  }
0x8c: {  	s17 =	sshll.u32 s0, $0xA;
	s2 =	sadd.s32 s3, s2  }
0x8d: {  	s2 =	sadd.s32 s2, s17  }
0x8e: {  	[smem:$0x3FBC] =	sst s2  }
0x8f: {  	_ = 	snop  }
0x90: {  	s2 =	sld [smem:$0x3FD0];
	(tm) =	ssettm $0x1  }
0x91: {  	s18 =	sld [smem:$0x3FFB];
	_ =	sdelay $0x3  }
0x92: {  	_ =	strace s18  }
0x93: {  	s3 =	sld [smem:$0x3FFC];
	_ =	sdelay $0x3  }
0x94: {  	_ =	strace s3  }
0x95: {  	s3 =	sld [smem:$0x3FFD];
	_ =	sdelay $0x3  }
0x96: {  	_ =	strace s3  }
0x97: {  	_ =	strace $0x8FFFFFFF  }
0x98: {  	s19 =	sld [smem:$0x3FDB];
	_ =	sdelay $0x1  }
0x99: {  	s4 =	simm.s32 $_scs_section_size  }
0x9a: {  	s5 =	simm.s32 $_size__tile_overlayer_lowered;
	s6 =	simm.s32 $_tile_overlayer_lowered  }
0x9b: {  	s22 =	simm.s32 $0x1BFF;
	s21 =	sshll.u32 s6, $0x1;
	s3 =	sadd.s32 s4, s19  }
0x9c: {  	s7 =	simm.s32 $0x0;
	s20 =	sshll.u32 s5, $0x1;
	s5 =	sadd.s32 s21, s3  }
0x9d: {  	[timem:s7], [sflag:s22] =	dma.local [hbm:s5], s20  }
0x9e: {  	_ =	swait.ge [sflag:s22], s20  }
0x9f: {  	s4 =	ssub.s32 $0x0, s20;
	[sflag:s22] =	ssyncset.done $0x0  }
0xa0: {  	[sflag:s22] =	ssyncadd.s32 s4;
	_ =	sdelay $0x1  }
0xa1: {  	s23 =	simm.s32 $0x1B8B  }
0xa2: {  	_ =	swait.ge [sflag:s23], $0x1  }
0xa3: {  	[sflag:s23] =	ssyncset.done $0x0  }
0xa4: {  	s25 =	simm.s32 $0x1B8E;
	s24 =	sld [smem:$0x3FFE];
	[sflag:s23] =	ssyncadd.s32 $0xFFFFFFFF  }
0xa5: {  	s26 =	simm.s32 $execute0_lowered;
	[smem:$0x3FD2] =	sst s25  }
0xa6: {  	s5 =	sshll.u32 s26, $0x1;
	_ =	strace $0x80000046;
	[dreg:$0x1] =	wrdreg $0xFFFFFFFF  }
0xa7: {  	s28 =	simm.s32 $_size_execute0_lowered;
	s3 =	sadd.s32 s3, s5;
	[dreg:$0x0] =	wrdreg $0x0  }
0xa8: {  	s5 =	sshll.u32 s28, $0x1;
	[dreg:$0x2] =	wrdreg s3  }
0xa9: {  	[dreg:$0x3] =	wrdreg s5  }
0xaa: {  	[dreg:$0x4] =	wrdreg $0xC0  }
0xab: {  	_ =	task [dreg:s7], $0x5FFFF  }
0xac: {  	[dreg:$0x1] =	wrdreg $0xFFFFFFFF  }
0xad: {  	[dreg:$0x0] =	wrdreg $0x60  }
0xae: {  	[dreg:$0x2] =	wrdreg s24  }
0xaf: {  	[dreg:$0x3] =	wrdreg s2  }
0xb0: {  	[dreg:$0x4] =	wrdreg $0x9  }
0xb1: {  	_ =	task.clear_ibuf [dreg:s7], $0x5FFFF;
	_ =	strace $0x90000046  }
0xb2: {  	s29 =	simm.s32 $0x9;
	_ =	strace $0x80000048  }
0xb3: {  	_ =	swait.ge [sflag:s29], $0x1  }
0xb4: {  	[sflag:s29] =	ssyncadd.s32 $0xFFFFFFFF  }
0xb5: {  	_ =	strace $0x90000048  }
0xb6: {  	_ =	sfence  }
0xb7: {  	s30 =	sld [smem:$0x0];
	_ =	sdelay $0x2  }
0xb8: {  	s31 =	sshll.u32 s1, $0xD;
	s1 =	sshrl.u32 s1, $0x2  }
0xb9: {  	s3 =	sand.u32 $0x4000, s31;
	s1 =	sadd.s32 s1, s30  }
0xba: {  	s0 =	sor.u32 s3, s0;
	s1 =	sshll.u32 s1, $0x11  }
0xbb: {  	s0 =	sor.u32 s1, s0  }
0xbc: {  	s0 =	sadd.s32 $0x8F2B, s0  }
0xbd: {  	[sflag:s0] =	ssyncadd.remote.s32 $0x1  }
0xbe: {  	_ =	sfence.sel $0xFFFF  }
0xbf: {  	[dreg:$0x0] =	wrdreg $0xFFFFFFFF;
	(pc) =	sbr.abs _section_cstart, $3  }
0xc0: {  	[dreg:$0x1] =	wrdreg $0xFFFFFFFF  }
0xc1: {  	_ =	task.clear_ibuf [dreg:s7], $0x2FFFF;
	_ =	strace $0x9FFFFFFF  }
0xc2: {  	(tm) =	ssettm $0x7FFFFFFF  }
0xc3: {  	_ =	shalt  }
tec
execute0_lowered:
.L_overlay_start_1:
0x0: {  	(tag) =	ssettag $0x1  }
0x1: {  	s0 =	srdreg.scid;
	s1 =	rddreg [dreg:$0x0]  }
0x2: {  	s2 =	stileid.u32;
	s3 =	rddreg [dreg:$0x1];
	s31 =	simm.s32 $0x9  }
0x3: {  	s29 =	simm.s32 $0x100;
	s28 =	simm.s32 $0x180;
	s4 =	sshll.u32 s2, $0xA  }
0x4: {  	p0 =	por $0x0, $0x0;
	s30 =	sadd.s32 $0xF44200, s1;
	s7 =	sadd.s32 $0x44ACE00, s1  }
0x5: {  	s0 =	sand.u32 $0x1, s0;
	s15 =	sadd.s32 $0x44ECE00, s1;
	s26 =	sadd.s32 $0x206EC00, s1  }
0x6: {  	s2 =	simm.s32 $0x0;
	s21 =	sadd.s32 $0x3199600, s1;
	s8 =	sadd.s32 $0x452CE00, s1  }
0x7: {  	s5 =	sshll.u32 s0, $0x9;
	[smem:$0x7FF] =	sst s2;
	s0 =	ssub.s32 $0x2, s0  }
0x8: {  	s4 =	sor.u32 s5, s4;
	_ =	strace $0x80000047;
	s23 =	sshrl.u32 s0, $0x1  }
0x9: {  	s5 =	sshrl.u32 s4, $0x3;
	s4 =	sshll.u32 s4, $0x4;
	s0 =	ssub.s32 s0, s23  }
0xa: {  	s23 =	simm.s32 $0x200;
	s6 =	sadd.s32 s5, s1;
	s3 =	sadd.s32 s3, s5  }
0xb: {  	s11 =	sadd.s32 s7, s4;
	s12 =	sor.u32 $0x800, s4;
	[dreg:$0x4] =	wrdreg s3  }
0xc: {  	s9 =	sor.u32 $0x1000, s4;
	s17 =	sadd.s32 s15, s4;
	[dreg:$0x5] =	wrdreg s11  }
0xd: {  	s10 =	sor.u32 $0x1800, s4;
	s20 =	sadd.s32 s8, s4;
	[dreg:$0x9] =	wrdreg s17  }
0xe: {  	s0 =	smax.u32 s0, $0x1;
	s6 =	sadd.s32 $0x44AC600, s6;
	[dreg:$0xd] =	wrdreg s20  }
0xf: {  	s13 =	sadd.s32 s7, s12;
	s14 =	sadd.s32 s7, s9;
	[dreg:$0x3] =	wrdreg s6  }
0x10: {  	s16 =	sadd.s32 s7, s10;
	s18 =	sadd.s32 s15, s12;
	[dreg:$0x6] =	wrdreg s13  }
0x11: {  	s3 =	sadd.s32 $0x42C4000, s1;
	s19 =	sadd.s32 s15, s9;
	[dreg:$0x7] =	wrdreg s14  }
0x12: {  	s1 =	sadd.s32 $0x456CE00, s1;
	s22 =	sadd.s32 s8, s12;
	[dreg:$0x8] =	wrdreg s16  }
0x13: {  	s24 =	sadd.s32 s8, s9;
	s25 =	sadd.s32 s8, s10;
	[dreg:$0xa] =	wrdreg s18  }
0x14: {  	s17 =	simm.s32 $0x2;
	s7 =	simm.s32 $0x6;
	[dreg:$0xb] =	wrdreg s19  }
0x15: {  	p1 =	sne.s32 s0, $0x1;
	s20 =	simm.s32 $0x3;
	[dreg:$0xe] =	wrdreg s22  }
0x16: {  	s11 =	simm.s32 $0x7;
	s6 =	sadd.s32 s15, s10;
	[dreg:$0xf] =	wrdreg s24  }
0x17: {  	[dreg:$0x10] =	wrdreg s25;
	s8 =	sadd.s32 s1, s4;
	s5 =	sadd.s32 s1, s9  }
0x18: {  	s4 =	sadd.s32 s1, s10;
	s16 =	simm.s32 $0x80;
	s15 =	simm.s32 $0x400  }
.Ltmp0:
0x19: {  	s14 =	simm.s32 $0x4400;
	s13 =	simm.s32 $0x8400;
	(pc) =	sbr.rel @!p1 .LBB2_3-.Ltmp0, $4  }
0x1a: {  	s10 =	simm.s32 $0xC400;
	s19 =	simm.s32 $0x1;
	s9 =	simm.s32 $0x5  }
0x1b: {  	s25 =	simm.s32 $0x280;
	s24 =	simm.s32 $0x300;
	s18 =	simm.s32 $0x4  }
0x1c: {  	s22 =	simm.s32 $0x380;
	[dreg:$0xc] =	wrdreg s6;
	s6 =	sadd.s32 s1, s12  }
0x1d: {  	s1 =	sadd.s32 $0xFFFFFFFF, s0;
	s12 =	simm.s32 $0x8;
	s0 =	rddreg [dreg:$0x3]  }
0x1e: {  	[tilespmem:s2], [sflag:$0x9] =	stream.linear.gather [hbm4b:s0+s2], $0x200, $0x38;
	[tilespmem:$0x10400] =	vst v63  }
0x1f: {  	_ =	swait.ge [sflag:s31], $0x200  }
0x20: {  	[sflag:s31] =	ssyncset.done $0x0  }
0x21: {  	s0 =	rddreg [dreg:$0x4];
	[sflag:s31] =	ssyncadd.s32 $0xFFFFFE00  }
0x22: {  	[tilespmem:s23], [sflag:$0x9] =	stream.linear.gather [hbm4b:s0+s2], $0x200, $0x38;
	[tilespmem:$0x10400] =	vst v63  }
0x23: {  	_ =	swait.ge [sflag:s31], $0x200  }
0x24: {  	[sflag:s31] =	ssyncset.done $0x0  }
0x25: {  	[sflag:s31] =	ssyncadd.s32 $0xFFFFFE00  }
0x26: {  	[tilespmem:s15], [sflag:$0x1] =	stream.indirect.gather [hbm4b:s30+s16], $0x80, s2, s16, $0xb8;
	[tilespmem:$0x10400] =	vst v63  }
0x27: {  	_ = 	snop  }
0x28: {  	[tilespmem:s14], [sflag:$0x2] =	stream.indirect.gather [hbm4b:s30+s16], $0x80, s16, s16, $0xb8;
	[tilespmem:$0x10400] =	vst v63  }
0x29: {  	_ = 	snop  }
0x2a: {  	[tilespmem:s13], [sflag:$0x3] =	stream.indirect.gather [hbm4b:s30+s16], $0x80, s29, s16, $0xb8;
	[tilespmem:$0x10400] =	vst v63  }
0x2b: {  	_ = 	snop  }
0x2c: {  	[tilespmem:s10], [sflag:$0x4] =	stream.indirect.gather [hbm4b:s30+s16], $0x80, s28, s16, $0xb8;
	[tilespmem:$0x10400] =	vst v63  }
0x2d: {  	_ =	swait.ge [sflag:s19], $0x4000  }
0x2e: {  	[sflag:s19] =	ssyncset.done $0x0  }
0x2f: {  	s0 =	rddreg [dreg:$0x5];
	[sflag:s19] =	ssyncadd.s32 $0xFFFFC000  }
0x30: {  	[hbm4b:s0+s2] =	stream.linear.scatter [tilespmem:s15], [sflag:$0x5], $0x4000, $0x38;
	[tilespmem:$0x10400] =	vst v63  }
0x31: {  	_ =	swait.ge [sflag:s9], $0x4000  }
0x32: {  	[sflag:s9] =	ssyncset.done $0x0  }
0x33: {  	[sflag:s9] =	ssyncadd.s32 $0xFFFFC000  }
0x34: {  	[tilespmem:s15], [sflag:$0x1] =	stream.indirect.gather [hbm4b:s26+s16], $0x80, s23, s16, $0xb8;
	[tilespmem:$0x10400] =	vst v63  }
0x35: {  	_ =	swait.ge [sflag:s17], $0x4000  }
0x36: {  	[sflag:s17] =	ssyncset.done $0x0  }
0x37: {  	s0 =	rddreg [dreg:$0x6];
	[sflag:s17] =	ssyncadd.s32 $0xFFFFC000  }
0x38: {  	[hbm4b:s0+s2] =	stream.linear.scatter [tilespmem:s14], [sflag:$0x6], $0x4000, $0x38;
	[tilespmem:$0x10400] =	vst v63  }
0x39: {  	_ =	swait.ge [sflag:s7], $0x4000  }
0x3a: {  	[sflag:s7] =	ssyncset.done $0x0  }
0x3b: {  	[sflag:s7] =	ssyncadd.s32 $0xFFFFC000  }
0x3c: {  	[tilespmem:s14], [sflag:$0x2] =	stream.indirect.gather [hbm4b:s26+s16], $0x80, s25, s16, $0xb8;
	[tilespmem:$0x10400] =	vst v63  }
0x3d: {  	_ =	swait.ge [sflag:s20], $0x4000  }
0x3e: {  	[sflag:s20] =	ssyncset.done $0x0  }
0x3f: {  	s0 =	rddreg [dreg:$0x7];
	[sflag:s20] =	ssyncadd.s32 $0xFFFFC000  }
0x40: {  	[hbm4b:s0+s2] =	stream.linear.scatter [tilespmem:s13], [sflag:$0x7], $0x4000, $0x38;
	[tilespmem:$0x10400] =	vst v63  }
0x41: {  	_ =	swait.ge [sflag:s11], $0x4000  }
0x42: {  	[sflag:s11] =	ssyncset.done $0x0  }
0x43: {  	[sflag:s11] =	ssyncadd.s32 $0xFFFFC000  }
0x44: {  	[tilespmem:s13], [sflag:$0x3] =	stream.indirect.gather [hbm4b:s26+s16], $0x80, s24, s16, $0xb8;
	[tilespmem:$0x10400] =	vst v63  }
0x45: {  	_ =	swait.ge [sflag:s18], $0x4000  }
0x46: {  	[sflag:s18] =	ssyncset.done $0x0  }
0x47: {  	s0 =	rddreg [dreg:$0x8];
	[sflag:s18] =	ssyncadd.s32 $0xFFFFC000  }
0x48: {  	[hbm4b:s0+s2] =	stream.linear.scatter [tilespmem:s10], [sflag:$0x8], $0x4000, $0x38;
	[tilespmem:$0x10400] =	vst v63  }
0x49: {  	_ =	swait.ge [sflag:s12], $0x4000  }
0x4a: {  	[sflag:s12] =	ssyncset.done $0x0  }
0x4b: {  	[sflag:s12] =	ssyncadd.s32 $0xFFFFC000  }
0x4c: {  	[tilespmem:s10], [sflag:$0x4] =	stream.indirect.gather [hbm4b:s26+s16], $0x80, s22, s16, $0xb8;
	[tilespmem:$0x10400] =	vst v63  }
0x4d: {  	_ =	swait.ge [sflag:s19], $0x4000  }
0x4e: {  	[sflag:s19] =	ssyncset.done $0x0  }
0x4f: {  	s0 =	rddreg [dreg:$0x9];
	[sflag:s19] =	ssyncadd.s32 $0xFFFFC000  }
0x50: {  	[hbm4b:s0+s2] =	stream.linear.scatter [tilespmem:s15], [sflag:$0x5], $0x4000, $0x38;
	[tilespmem:$0x10400] =	vst v63  }
0x51: {  	_ =	swait.ge [sflag:s9], $0x4000  }
0x52: {  	[sflag:s9] =	ssyncset.done $0x0  }
0x53: {  	[sflag:s9] =	ssyncadd.s32 $0xFFFFC000  }
0x54: {  	[tilespmem:s15], [sflag:$0x1] =	stream.indirect.gather [hbm4b:s21+s16], $0x80, s2, s16, $0xb8;
	[tilespmem:$0x10400] =	vst v63  }
0x55: {  	_ =	swait.ge [sflag:s17], $0x4000  }
0x56: {  	[sflag:s17] =	ssyncset.done $0x0  }
0x57: {  	s0 =	rddreg [dreg:$0xa];
	[sflag:s17] =	ssyncadd.s32 $0xFFFFC000  }
0x58: {  	[hbm4b:s0+s2] =	stream.linear.scatter [tilespmem:s14], [sflag:$0x6], $0x4000, $0x38;
	[tilespmem:$0x10400] =	vst v63  }
0x59: {  	_ =	swait.ge [sflag:s7], $0x4000  }
0x5a: {  	[sflag:s7] =	ssyncset.done $0x0  }
0x5b: {  	[sflag:s7] =	ssyncadd.s32 $0xFFFFC000  }
0x5c: {  	[tilespmem:s14], [sflag:$0x2] =	stream.indirect.gather [hbm4b:s21+s16], $0x80, s16, s16, $0xb8;
	[tilespmem:$0x10400] =	vst v63  }
0x5d: {  	_ =	swait.ge [sflag:s20], $0x4000  }
0x5e: {  	[sflag:s20] =	ssyncset.done $0x0  }
0x5f: {  	s0 =	rddreg [dreg:$0xb];
	[sflag:s20] =	ssyncadd.s32 $0xFFFFC000  }
0x60: {  	[hbm4b:s0+s2] =	stream.linear.scatter [tilespmem:s13], [sflag:$0x7], $0x4000, $0x38;
	[tilespmem:$0x10400] =	vst v63  }
0x61: {  	_ =	swait.ge [sflag:s11], $0x4000  }
0x62: {  	[sflag:s11] =	ssyncset.done $0x0  }
0x63: {  	[sflag:s11] =	ssyncadd.s32 $0xFFFFC000  }
0x64: {  	[tilespmem:s13], [sflag:$0x3] =	stream.indirect.gather [hbm4b:s21+s16], $0x80, s29, s16, $0xb8;
	[tilespmem:$0x10400] =	vst v63  }
0x65: {  	_ =	swait.ge [sflag:s18], $0x4000  }
0x66: {  	[sflag:s18] =	ssyncset.done $0x0  }
0x67: {  	s0 =	rddreg [dreg:$0xc];
	[sflag:s18] =	ssyncadd.s32 $0xFFFFC000  }
0x68: {  	[hbm4b:s0+s2] =	stream.linear.scatter [tilespmem:s10], [sflag:$0x8], $0x4000, $0x38;
	[tilespmem:$0x10400] =	vst v63  }
0x69: {  	_ =	swait.ge [sflag:s12], $0x4000  }
0x6a: {  	[sflag:s12] =	ssyncset.done $0x0  }
0x6b: {  	[sflag:s12] =	ssyncadd.s32 $0xFFFFC000  }
0x6c: {  	[tilespmem:s10], [sflag:$0x4] =	stream.indirect.gather [hbm4b:s21+s16], $0x80, s28, s16, $0xb8;
	[tilespmem:$0x10400] =	vst v63  }
0x6d: {  	_ =	swait.ge [sflag:s19], $0x4000  }
0x6e: {  	[sflag:s19] =	ssyncset.done $0x0  }
0x6f: {  	s0 =	rddreg [dreg:$0xd];
	[sflag:s19] =	ssyncadd.s32 $0xFFFFC000  }
0x70: {  	[hbm4b:s0+s2] =	stream.linear.scatter [tilespmem:s15], [sflag:$0x5], $0x4000, $0x38;
	[tilespmem:$0x10400] =	vst v63  }
0x71: {  	_ =	swait.ge [sflag:s9], $0x4000  }
0x72: {  	[sflag:s9] =	ssyncset.done $0x0  }
0x73: {  	[sflag:s9] =	ssyncadd.s32 $0xFFFFC000  }
0x74: {  	[tilespmem:s15], [sflag:$0x1] =	stream.indirect.gather [hbm4b:s3+s16], $0x80, s23, s16, $0xb8;
	[tilespmem:$0x10400] =	vst v63  }
0x75: {  	_ =	swait.ge [sflag:s17], $0x4000  }
0x76: {  	[sflag:s17] =	ssyncset.done $0x0  }
0x77: {  	s0 =	rddreg [dreg:$0xe];
	[sflag:s17] =	ssyncadd.s32 $0xFFFFC000  }
0x78: {  	[hbm4b:s0+s2] =	stream.linear.scatter [tilespmem:s14], [sflag:$0x6], $0x4000, $0x38;
	[tilespmem:$0x10400] =	vst v63  }
0x79: {  	_ =	swait.ge [sflag:s7], $0x4000  }
0x7a: {  	[sflag:s7] =	ssyncset.done $0x0  }
0x7b: {  	[sflag:s7] =	ssyncadd.s32 $0xFFFFC000  }
0x7c: {  	[tilespmem:s14], [sflag:$0x2] =	stream.indirect.gather [hbm4b:s3+s16], $0x80, s25, s16, $0xb8;
	[tilespmem:$0x10400] =	vst v63  }
0x7d: {  	_ =	swait.ge [sflag:s20], $0x4000  }
0x7e: {  	[sflag:s20] =	ssyncset.done $0x0  }
0x7f: {  	s0 =	rddreg [dreg:$0xf];
	[sflag:s20] =	ssyncadd.s32 $0xFFFFC000  }
0x80: {  	[hbm4b:s0+s2] =	stream.linear.scatter [tilespmem:s13], [sflag:$0x7], $0x4000, $0x38;
	[tilespmem:$0x10400] =	vst v63  }
0x81: {  	_ =	swait.ge [sflag:s11], $0x4000  }
0x82: {  	[sflag:s11] =	ssyncset.done $0x0  }
0x83: {  	[sflag:s11] =	ssyncadd.s32 $0xFFFFC000  }
0x84: {  	[tilespmem:s13], [sflag:$0x3] =	stream.indirect.gather [hbm4b:s3+s16], $0x80, s24, s16, $0xb8;
	[tilespmem:$0x10400] =	vst v63  }
0x85: {  	_ =	swait.ge [sflag:s18], $0x4000  }
0x86: {  	[sflag:s18] =	ssyncset.done $0x0  }
0x87: {  	s0 =	rddreg [dreg:$0x10];
	[sflag:s18] =	ssyncadd.s32 $0xFFFFC000  }
0x88: {  	[hbm4b:s0+s2] =	stream.linear.scatter [tilespmem:s10], [sflag:$0x8], $0x4000, $0x38;
	[tilespmem:$0x10400] =	vst v63  }
0x89: {  	_ =	swait.ge [sflag:s12], $0x4000  }
0x8a: {  	[sflag:s12] =	ssyncset.done $0x0  }
0x8b: {  	[sflag:s12] =	ssyncadd.s32 $0xFFFFC000  }
0x8c: {  	[tilespmem:s10], [sflag:$0x4] =	stream.indirect.gather [hbm4b:s3+s16], $0x80, s22, s16, $0xb8;
	[tilespmem:$0x10400] =	vst v63  }
0x8d: {  	_ =	swait.ge [sflag:s19], $0x4000  }
0x8e: {  	[sflag:s19] =	ssyncset.done $0x0  }
0x8f: {  	[sflag:s19] =	ssyncadd.s32 $0xFFFFC000  }
0x90: {  	[hbm4b:s8+s2] =	stream.linear.scatter [tilespmem:s15], [sflag:$0x5], $0x4000, $0x38;
	[tilespmem:$0x10400] =	vst v63  }
0x91: {  	_ =	swait.ge [sflag:s17], $0x4000  }
0x92: {  	[sflag:s17] =	ssyncset.done $0x0  }
0x93: {  	[sflag:s17] =	ssyncadd.s32 $0xFFFFC000  }
0x94: {  	[hbm4b:s6+s2] =	stream.linear.scatter [tilespmem:s14], [sflag:$0x6], $0x4000, $0x38;
	[tilespmem:$0x10400] =	vst v63  }
0x95: {  	_ =	swait.ge [sflag:s20], $0x4000  }
0x96: {  	[sflag:s20] =	ssyncset.done $0x0  }
0x97: {  	[sflag:s20] =	ssyncadd.s32 $0xFFFFC000  }
0x98: {  	[hbm4b:s5+s2] =	stream.linear.scatter [tilespmem:s13], [sflag:$0x7], $0x4000, $0x38;
	[tilespmem:$0x10400] =	vst v63  }
0x99: {  	_ =	swait.ge [sflag:s18], $0x4000  }
0x9a: {  	[sflag:s18] =	ssyncset.done $0x0  }
0x9b: {  	[sflag:s18] =	ssyncadd.s32 $0xFFFFC000  }
0x9c: {  	[hbm4b:s4+s2] =	stream.linear.scatter [tilespmem:s10], [sflag:$0x8], $0x4000, $0x38;
	[tilespmem:$0x10400] =	vst v63  }
0x9d: {  	_ =	swait.ge [sflag:s9], $0x4000  }
0x9e: {  	[sflag:s9] =	ssyncset.done $0x0  }
0x9f: {  	[sflag:s9] =	ssyncadd.s32 $0xFFFFC000  }
0xa0: {  	_ =	swait.ge [sflag:s7], $0x4000  }
0xa1: {  	[sflag:s7] =	ssyncset.done $0x0  }
0xa2: {  	p1 =	sne.s32 s1, $0x1;
	[sflag:s7] =	ssyncadd.s32 $0xFFFFC000  }
.Ltmp1:
0xa3: {  	_ =	swait.ge [sflag:s11], $0x4000;
	(pc) =	sbr.rel @!p1 .LBB2_3-.Ltmp1, $4  }
0xa4: {  	[sflag:s11] =	ssyncset.done $0x0  }
0xa5: {  	[sflag:s11] =	ssyncadd.s32 $0xFFFFC000  }
0xa6: {  	s1 =	sadd.s32 $0xFFFFFFFF, s1;
	_ =	swait.ge [sflag:s12], $0x4000  }
0xa7: {  	p0 =	por $0x1, $0x1;
	s0 =	rddreg [dreg:$0x3];
	[sflag:s12] =	ssyncset.done $0x0  }
.LBB2_2:
0xa8: {  	[sflag:s12] =	ssyncadd.s32 $0xFFFFC000  }
0xa9: {  	[tilespmem:s2], [sflag:$0x9] =	stream.linear.gather [hbm4b:s0+s2], $0x200, $0x38;
	[tilespmem:$0x10400] =	vst v63  }
0xaa: {  	_ =	swait.ge [sflag:s31], $0x200  }
0xab: {  	[sflag:s31] =	ssyncset.done $0x0  }
0xac: {  	s0 =	rddreg [dreg:$0x4];
	[sflag:s31] =	ssyncadd.s32 $0xFFFFFE00  }
0xad: {  	[tilespmem:s23], [sflag:$0x9] =	stream.linear.gather [hbm4b:s0+s2], $0x200, $0x38;
	[tilespmem:$0x10400] =	vst v63  }
0xae: {  	_ =	swait.ge [sflag:s31], $0x200  }
0xaf: {  	[sflag:s31] =	ssyncset.done $0x0  }
0xb0: {  	[sflag:s31] =	ssyncadd.s32 $0xFFFFFE00  }
0xb1: {  	[tilespmem:s15], [sflag:$0x1] =	stream.indirect.gather [hbm4b:s30+s16], $0x80, s2, s16, $0xb8;
	[tilespmem:$0x10400] =	vst v63  }
0xb2: {  	_ = 	snop  }
0xb3: {  	[tilespmem:s14], [sflag:$0x2] =	stream.indirect.gather [hbm4b:s30+s16], $0x80, s16, s16, $0xb8;
	[tilespmem:$0x10400] =	vst v63  }
0xb4: {  	_ = 	snop  }
0xb5: {  	[tilespmem:s13], [sflag:$0x3] =	stream.indirect.gather [hbm4b:s30+s16], $0x80, s29, s16, $0xb8;
	[tilespmem:$0x10400] =	vst v63  }
0xb6: {  	_ = 	snop  }
0xb7: {  	[tilespmem:s10], [sflag:$0x4] =	stream.indirect.gather [hbm4b:s30+s16], $0x80, s28, s16, $0xb8;
	[tilespmem:$0x10400] =	vst v63  }
0xb8: {  	_ =	swait.ge [sflag:s19], $0x4000  }
0xb9: {  	[sflag:s19] =	ssyncset.done $0x0  }
0xba: {  	s0 =	rddreg [dreg:$0x5];
	[sflag:s19] =	ssyncadd.s32 $0xFFFFC000  }
0xbb: {  	[hbm4b:s0+s2] =	stream.linear.scatter [tilespmem:s15], [sflag:$0x5], $0x4000, $0x38;
	[tilespmem:$0x10400] =	vst v63  }
0xbc: {  	_ =	swait.ge [sflag:s9], $0x4000  }
0xbd: {  	[sflag:s9] =	ssyncset.done $0x0  }
0xbe: {  	[sflag:s9] =	ssyncadd.s32 $0xFFFFC000  }
0xbf: {  	[tilespmem:s15], [sflag:$0x1] =	stream.indirect.gather [hbm4b:s26+s16], $0x80, s23, s16, $0xb8;
	[tilespmem:$0x10400] =	vst v63  }
0xc0: {  	_ =	swait.ge [sflag:s17], $0x4000  }
0xc1: {  	[sflag:s17] =	ssyncset.done $0x0  }
0xc2: {  	s0 =	rddreg [dreg:$0x6];
	[sflag:s17] =	ssyncadd.s32 $0xFFFFC000  }
0xc3: {  	[hbm4b:s0+s2] =	stream.linear.scatter [tilespmem:s14], [sflag:$0x6], $0x4000, $0x38;
	[tilespmem:$0x10400] =	vst v63  }
0xc4: {  	_ =	swait.ge [sflag:s7], $0x4000  }
0xc5: {  	[sflag:s7] =	ssyncset.done $0x0  }
0xc6: {  	[sflag:s7] =	ssyncadd.s32 $0xFFFFC000  }
0xc7: {  	[tilespmem:s14], [sflag:$0x2] =	stream.indirect.gather [hbm4b:s26+s16], $0x80, s25, s16, $0xb8;
	[tilespmem:$0x10400] =	vst v63  }
0xc8: {  	_ =	swait.ge [sflag:s20], $0x4000  }
0xc9: {  	[sflag:s20] =	ssyncset.done $0x0  }
0xca: {  	s0 =	rddreg [dreg:$0x7];
	[sflag:s20] =	ssyncadd.s32 $0xFFFFC000  }
0xcb: {  	[hbm4b:s0+s2] =	stream.linear.scatter [tilespmem:s13], [sflag:$0x7], $0x4000, $0x38;
	[tilespmem:$0x10400] =	vst v63  }
0xcc: {  	_ =	swait.ge [sflag:s11], $0x4000  }
0xcd: {  	[sflag:s11] =	ssyncset.done $0x0  }
0xce: {  	[sflag:s11] =	ssyncadd.s32 $0xFFFFC000  }
0xcf: {  	[tilespmem:s13], [sflag:$0x3] =	stream.indirect.gather [hbm4b:s26+s16], $0x80, s24, s16, $0xb8;
	[tilespmem:$0x10400] =	vst v63  }
0xd0: {  	_ =	swait.ge [sflag:s18], $0x4000  }
0xd1: {  	[sflag:s18] =	ssyncset.done $0x0  }
0xd2: {  	s0 =	rddreg [dreg:$0x8];
	[sflag:s18] =	ssyncadd.s32 $0xFFFFC000  }
0xd3: {  	[hbm4b:s0+s2] =	stream.linear.scatter [tilespmem:s10], [sflag:$0x8], $0x4000, $0x38;
	[tilespmem:$0x10400] =	vst v63  }
0xd4: {  	_ =	swait.ge [sflag:s12], $0x4000  }
0xd5: {  	[sflag:s12] =	ssyncset.done $0x0  }
0xd6: {  	[sflag:s12] =	ssyncadd.s32 $0xFFFFC000  }
0xd7: {  	[tilespmem:s10], [sflag:$0x4] =	stream.indirect.gather [hbm4b:s26+s16], $0x80, s22, s16, $0xb8;
	[tilespmem:$0x10400] =	vst v63  }
0xd8: {  	_ =	swait.ge [sflag:s19], $0x4000  }
0xd9: {  	[sflag:s19] =	ssyncset.done $0x0  }
0xda: {  	s0 =	rddreg [dreg:$0x9];
	[sflag:s19] =	ssyncadd.s32 $0xFFFFC000  }
0xdb: {  	[hbm4b:s0+s2] =	stream.linear.scatter [tilespmem:s15], [sflag:$0x5], $0x4000, $0x38;
	[tilespmem:$0x10400] =	vst v63  }
0xdc: {  	_ =	swait.ge [sflag:s9], $0x4000  }
0xdd: {  	[sflag:s9] =	ssyncset.done $0x0  }
0xde: {  	[sflag:s9] =	ssyncadd.s32 $0xFFFFC000  }
0xdf: {  	[tilespmem:s15], [sflag:$0x1] =	stream.indirect.gather [hbm4b:s21+s16], $0x80, s2, s16, $0xb8;
	[tilespmem:$0x10400] =	vst v63  }
0xe0: {  	_ =	swait.ge [sflag:s17], $0x4000  }
0xe1: {  	[sflag:s17] =	ssyncset.done $0x0  }
0xe2: {  	s0 =	rddreg [dreg:$0xa];
	[sflag:s17] =	ssyncadd.s32 $0xFFFFC000  }
0xe3: {  	[hbm4b:s0+s2] =	stream.linear.scatter [tilespmem:s14], [sflag:$0x6], $0x4000, $0x38;
	[tilespmem:$0x10400] =	vst v63  }
0xe4: {  	_ =	swait.ge [sflag:s7], $0x4000  }
0xe5: {  	[sflag:s7] =	ssyncset.done $0x0  }
0xe6: {  	[sflag:s7] =	ssyncadd.s32 $0xFFFFC000  }
0xe7: {  	[tilespmem:s14], [sflag:$0x2] =	stream.indirect.gather [hbm4b:s21+s16], $0x80, s16, s16, $0xb8;
	[tilespmem:$0x10400] =	vst v63  }
0xe8: {  	_ =	swait.ge [sflag:s20], $0x4000  }
0xe9: {  	[sflag:s20] =	ssyncset.done $0x0  }
0xea: {  	s0 =	rddreg [dreg:$0xb];
	[sflag:s20] =	ssyncadd.s32 $0xFFFFC000  }
0xeb: {  	[hbm4b:s0+s2] =	stream.linear.scatter [tilespmem:s13], [sflag:$0x7], $0x4000, $0x38;
	[tilespmem:$0x10400] =	vst v63  }
0xec: {  	_ =	swait.ge [sflag:s11], $0x4000  }
0xed: {  	[sflag:s11] =	ssyncset.done $0x0  }
0xee: {  	[sflag:s11] =	ssyncadd.s32 $0xFFFFC000  }
0xef: {  	[tilespmem:s13], [sflag:$0x3] =	stream.indirect.gather [hbm4b:s21+s16], $0x80, s29, s16, $0xb8;
	[tilespmem:$0x10400] =	vst v63  }
0xf0: {  	_ =	swait.ge [sflag:s18], $0x4000  }
0xf1: {  	[sflag:s18] =	ssyncset.done $0x0  }
0xf2: {  	s0 =	rddreg [dreg:$0xc];
	[sflag:s18] =	ssyncadd.s32 $0xFFFFC000  }
0xf3: {  	[hbm4b:s0+s2] =	stream.linear.scatter [tilespmem:s10], [sflag:$0x8], $0x4000, $0x38;
	[tilespmem:$0x10400] =	vst v63  }
0xf4: {  	_ =	swait.ge [sflag:s12], $0x4000  }
0xf5: {  	[sflag:s12] =	ssyncset.done $0x0  }
0xf6: {  	[sflag:s12] =	ssyncadd.s32 $0xFFFFC000  }
0xf7: {  	[tilespmem:s10], [sflag:$0x4] =	stream.indirect.gather [hbm4b:s21+s16], $0x80, s28, s16, $0xb8;
	[tilespmem:$0x10400] =	vst v63  }
0xf8: {  	_ =	swait.ge [sflag:s19], $0x4000  }
0xf9: {  	[sflag:s19] =	ssyncset.done $0x0  }
0xfa: {  	s0 =	rddreg [dreg:$0xd];
	[sflag:s19] =	ssyncadd.s32 $0xFFFFC000  }
0xfb: {  	[hbm4b:s0+s2] =	stream.linear.scatter [tilespmem:s15], [sflag:$0x5], $0x4000, $0x38;
	[tilespmem:$0x10400] =	vst v63  }
0xfc: {  	_ =	swait.ge [sflag:s9], $0x4000  }
0xfd: {  	[sflag:s9] =	ssyncset.done $0x0  }
0xfe: {  	[sflag:s9] =	ssyncadd.s32 $0xFFFFC000  }
0xff: {  	[tilespmem:s15], [sflag:$0x1] =	stream.indirect.gather [hbm4b:s3+s16], $0x80, s23, s16, $0xb8;
	[tilespmem:$0x10400] =	vst v63  }
0x100: {  	_ =	swait.ge [sflag:s17], $0x4000  }
0x101: {  	[sflag:s17] =	ssyncset.done $0x0  }
0x102: {  	s0 =	rddreg [dreg:$0xe];
	[sflag:s17] =	ssyncadd.s32 $0xFFFFC000  }
0x103: {  	[hbm4b:s0+s2] =	stream.linear.scatter [tilespmem:s14], [sflag:$0x6], $0x4000, $0x38;
	[tilespmem:$0x10400] =	vst v63  }
0x104: {  	_ =	swait.ge [sflag:s7], $0x4000  }
0x105: {  	[sflag:s7] =	ssyncset.done $0x0  }
0x106: {  	[sflag:s7] =	ssyncadd.s32 $0xFFFFC000  }
0x107: {  	[tilespmem:s14], [sflag:$0x2] =	stream.indirect.gather [hbm4b:s3+s16], $0x80, s25, s16, $0xb8;
	[tilespmem:$0x10400] =	vst v63  }
0x108: {  	_ =	swait.ge [sflag:s20], $0x4000  }
0x109: {  	[sflag:s20] =	ssyncset.done $0x0  }
0x10a: {  	s0 =	rddreg [dreg:$0xf];
	[sflag:s20] =	ssyncadd.s32 $0xFFFFC000  }
0x10b: {  	[hbm4b:s0+s2] =	stream.linear.scatter [tilespmem:s13], [sflag:$0x7], $0x4000, $0x38;
	[tilespmem:$0x10400] =	vst v63  }
0x10c: {  	_ =	swait.ge [sflag:s11], $0x4000  }
0x10d: {  	[sflag:s11] =	ssyncset.done $0x0  }
0x10e: {  	[sflag:s11] =	ssyncadd.s32 $0xFFFFC000  }
0x10f: {  	[tilespmem:s13], [sflag:$0x3] =	stream.indirect.gather [hbm4b:s3+s16], $0x80, s24, s16, $0xb8;
	[tilespmem:$0x10400] =	vst v63  }
0x110: {  	_ =	swait.ge [sflag:s18], $0x4000  }
0x111: {  	[sflag:s18] =	ssyncset.done $0x0  }
0x112: {  	s0 =	rddreg [dreg:$0x10];
	[sflag:s18] =	ssyncadd.s32 $0xFFFFC000  }
0x113: {  	[hbm4b:s0+s2] =	stream.linear.scatter [tilespmem:s10], [sflag:$0x8], $0x4000, $0x38;
	[tilespmem:$0x10400] =	vst v63  }
0x114: {  	_ =	swait.ge [sflag:s12], $0x4000  }
0x115: {  	[sflag:s12] =	ssyncset.done $0x0  }
0x116: {  	[sflag:s12] =	ssyncadd.s32 $0xFFFFC000  }
0x117: {  	[tilespmem:s10], [sflag:$0x4] =	stream.indirect.gather [hbm4b:s3+s16], $0x80, s22, s16, $0xb8;
	[tilespmem:$0x10400] =	vst v63  }
0x118: {  	_ =	swait.ge [sflag:s19], $0x4000  }
0x119: {  	[sflag:s19] =	ssyncset.done $0x0  }
0x11a: {  	[sflag:s19] =	ssyncadd.s32 $0xFFFFC000  }
0x11b: {  	[hbm4b:s8+s2] =	stream.linear.scatter [tilespmem:s15], [sflag:$0x5], $0x4000, $0x38;
	[tilespmem:$0x10400] =	vst v63  }
0x11c: {  	_ =	swait.ge [sflag:s17], $0x4000  }
0x11d: {  	[sflag:s17] =	ssyncset.done $0x0  }
0x11e: {  	[sflag:s17] =	ssyncadd.s32 $0xFFFFC000  }
0x11f: {  	[hbm4b:s6+s2] =	stream.linear.scatter [tilespmem:s14], [sflag:$0x6], $0x4000, $0x38;
	[tilespmem:$0x10400] =	vst v63  }
0x120: {  	_ =	swait.ge [sflag:s20], $0x4000  }
0x121: {  	[sflag:s20] =	ssyncset.done $0x0  }
0x122: {  	[sflag:s20] =	ssyncadd.s32 $0xFFFFC000  }
0x123: {  	[hbm4b:s5+s2] =	stream.linear.scatter [tilespmem:s13], [sflag:$0x7], $0x4000, $0x38;
	[tilespmem:$0x10400] =	vst v63  }
0x124: {  	_ =	swait.ge [sflag:s18], $0x4000  }
0x125: {  	[sflag:s18] =	ssyncset.done $0x0  }
0x126: {  	[sflag:s18] =	ssyncadd.s32 $0xFFFFC000  }
0x127: {  	[hbm4b:s4+s2] =	stream.linear.scatter [tilespmem:s10], [sflag:$0x8], $0x4000, $0x38;
	[tilespmem:$0x10400] =	vst v63  }
0x128: {  	_ =	swait.ge [sflag:s9], $0x4000  }
0x129: {  	[sflag:s9] =	ssyncset.done $0x0  }
0x12a: {  	[sflag:s9] =	ssyncadd.s32 $0xFFFFC000  }
0x12b: {  	_ =	swait.ge [sflag:s7], $0x4000  }
0x12c: {  	[sflag:s7] =	ssyncset.done $0x0  }
0x12d: {  	p1 =	sne.s32 s1, $0x1;
	[sflag:s7] =	ssyncadd.s32 $0xFFFFC000  }
.Ltmp2:
0x12e: {  	_ =	swait.ge [sflag:s11], $0x4000;
	(pc) =	sbr.rel @p1 .LBB2_2-.Ltmp2, $4  }
0x12f: {  	[sflag:s11] =	ssyncset.done $0x0  }
0x130: {  	[sflag:s11] =	ssyncadd.s32 $0xFFFFC000  }
0x131: {  	_ =	swait.ge [sflag:s12], $0x4000  }
0x132: {  	s1 =	sadd.s32 $0xFFFFFFFF, s1;
	s0 =	rddreg [dreg:$0x3];
	[sflag:s12] =	ssyncset.done $0x0  }
.LBB2_3:
0x133: {  	[sflag:s12] =	ssyncadd.s32 @p0 $0xFFFFC000  }
0x134: {  	[tilespmem:s2], [sflag:$0x9] =	stream.linear.gather [hbm4b:s0+s2], $0x200, $0x38;
	[tilespmem:$0x10400] =	vst v63  }
0x135: {  	_ =	swait.ge [sflag:s31], $0x200  }
0x136: {  	[sflag:s31] =	ssyncset.done $0x0  }
0x137: {  	s1 =	rddreg [dreg:$0x4];
	[sflag:s31] =	ssyncadd.s32 $0xFFFFFE00  }
0x138: {  	[tilespmem:s23], [sflag:$0x9] =	stream.linear.gather [hbm4b:s1+s2], $0x200, $0x38;
	[tilespmem:$0x10400] =	vst v63  }
0x139: {  	_ =	swait.ge [sflag:s31], $0x200  }
0x13a: {  	[sflag:s31] =	ssyncset.done $0x0  }
0x13b: {  	[sflag:s31] =	ssyncadd.s32 $0xFFFFFE00  }
0x13c: {  	[tilespmem:s15], [sflag:$0x1] =	stream.indirect.gather [hbm4b:s30+s16], $0x80, s2, s16, $0xb8;
	[tilespmem:$0x10400] =	vst v63  }
0x13d: {  	_ = 	snop  }
0x13e: {  	[tilespmem:s14], [sflag:$0x2] =	stream.indirect.gather [hbm4b:s30+s16], $0x80, s16, s16, $0xb8;
	[tilespmem:$0x10400] =	vst v63  }
0x13f: {  	_ = 	snop  }
0x140: {  	[tilespmem:s13], [sflag:$0x3] =	stream.indirect.gather [hbm4b:s30+s16], $0x80, s29, s16, $0xb8;
	[tilespmem:$0x10400] =	vst v63  }
0x141: {  	_ = 	snop  }
0x142: {  	[tilespmem:s10], [sflag:$0x4] =	stream.indirect.gather [hbm4b:s30+s16], $0x80, s28, s16, $0xb8;
	[tilespmem:$0x10400] =	vst v63  }
0x143: {  	_ =	swait.ge [sflag:s19], $0x4000  }
0x144: {  	[sflag:s19] =	ssyncset.done $0x0  }
0x145: {  	s1 =	rddreg [dreg:$0x5];
	[sflag:s19] =	ssyncadd.s32 $0xFFFFC000  }
0x146: {  	[hbm4b:s1+s2] =	stream.linear.scatter [tilespmem:s15], [sflag:$0x5], $0x4000, $0x38;
	[tilespmem:$0x10400] =	vst v63  }
0x147: {  	_ =	swait.ge [sflag:s9], $0x4000  }
0x148: {  	[sflag:s9] =	ssyncset.done $0x0  }
0x149: {  	[sflag:s9] =	ssyncadd.s32 $0xFFFFC000  }
0x14a: {  	[tilespmem:s15], [sflag:$0x1] =	stream.indirect.gather [hbm4b:s26+s16], $0x80, s23, s16, $0xb8;
	[tilespmem:$0x10400] =	vst v63  }
0x14b: {  	_ =	swait.ge [sflag:s17], $0x4000  }
0x14c: {  	[sflag:s17] =	ssyncset.done $0x0  }
0x14d: {  	s30 =	rddreg [dreg:$0x6];
	[sflag:s17] =	ssyncadd.s32 $0xFFFFC000  }
0x14e: {  	[hbm4b:s30+s2] =	stream.linear.scatter [tilespmem:s14], [sflag:$0x6], $0x4000, $0x38;
	[tilespmem:$0x10400] =	vst v63  }
0x14f: {  	_ =	swait.ge [sflag:s7], $0x4000  }
0x150: {  	[sflag:s7] =	ssyncset.done $0x0  }
0x151: {  	[sflag:s7] =	ssyncadd.s32 $0xFFFFC000  }
0x152: {  	[tilespmem:s14], [sflag:$0x2] =	stream.indirect.gather [hbm4b:s26+s16], $0x80, s25, s16, $0xb8;
	[tilespmem:$0x10400] =	vst v63  }
0x153: {  	_ =	swait.ge [sflag:s20], $0x4000  }
0x154: {  	[sflag:s20] =	ssyncset.done $0x0  }
0x155: {  	s31 =	rddreg [dreg:$0x7];
	[sflag:s20] =	ssyncadd.s32 $0xFFFFC000  }
0x156: {  	[hbm4b:s31+s2] =	stream.linear.scatter [tilespmem:s13], [sflag:$0x7], $0x4000, $0x38;
	[tilespmem:$0x10400] =	vst v63  }
0x157: {  	_ =	swait.ge [sflag:s11], $0x4000  }
0x158: {  	[sflag:s11] =	ssyncset.done $0x0  }
0x159: {  	[sflag:s11] =	ssyncadd.s32 $0xFFFFC000  }
0x15a: {  	[tilespmem:s13], [sflag:$0x3] =	stream.indirect.gather [hbm4b:s26+s16], $0x80, s24, s16, $0xb8;
	[tilespmem:$0x10400] =	vst v63  }
0x15b: {  	_ =	swait.ge [sflag:s18], $0x4000  }
0x15c: {  	[sflag:s18] =	ssyncset.done $0x0  }
0x15d: {  	s1 =	rddreg [dreg:$0x8];
	[sflag:s18] =	ssyncadd.s32 $0xFFFFC000  }
0x15e: {  	[hbm4b:s1+s2] =	stream.linear.scatter [tilespmem:s10], [sflag:$0x8], $0x4000, $0x38;
	[tilespmem:$0x10400] =	vst v63  }
0x15f: {  	_ =	swait.ge [sflag:s12], $0x4000  }
0x160: {  	[sflag:s12] =	ssyncset.done $0x0  }
0x161: {  	[sflag:s12] =	ssyncadd.s32 $0xFFFFC000  }
0x162: {  	[tilespmem:s10], [sflag:$0x4] =	stream.indirect.gather [hbm4b:s26+s16], $0x80, s22, s16, $0xb8;
	[tilespmem:$0x10400] =	vst v63  }
0x163: {  	_ =	swait.ge [sflag:s19], $0x4000  }
0x164: {  	[sflag:s19] =	ssyncset.done $0x0  }
0x165: {  	s26 =	rddreg [dreg:$0x9];
	[sflag:s19] =	ssyncadd.s32 $0xFFFFC000  }
0x166: {  	[hbm4b:s26+s2] =	stream.linear.scatter [tilespmem:s15], [sflag:$0x5], $0x4000, $0x38;
	[tilespmem:$0x10400] =	vst v63  }
0x167: {  	_ =	swait.ge [sflag:s9], $0x4000  }
0x168: {  	[sflag:s9] =	ssyncset.done $0x0  }
0x169: {  	[sflag:s9] =	ssyncadd.s32 $0xFFFFC000  }
0x16a: {  	[tilespmem:s15], [sflag:$0x1] =	stream.indirect.gather [hbm4b:s21+s16], $0x80, s2, s16, $0xb8;
	[tilespmem:$0x10400] =	vst v63  }
0x16b: {  	_ =	swait.ge [sflag:s17], $0x4000  }
0x16c: {  	[sflag:s17] =	ssyncset.done $0x0  }
0x16d: {  	s30 =	rddreg [dreg:$0xa];
	[sflag:s17] =	ssyncadd.s32 $0xFFFFC000  }
0x16e: {  	[hbm4b:s30+s2] =	stream.linear.scatter [tilespmem:s14], [sflag:$0x6], $0x4000, $0x38;
	[tilespmem:$0x10400] =	vst v63  }
0x16f: {  	_ =	swait.ge [sflag:s7], $0x4000  }
0x170: {  	[sflag:s7] =	ssyncset.done $0x0  }
0x171: {  	[sflag:s7] =	ssyncadd.s32 $0xFFFFC000  }
0x172: {  	[tilespmem:s14], [sflag:$0x2] =	stream.indirect.gather [hbm4b:s21+s16], $0x80, s16, s16, $0xb8;
	[tilespmem:$0x10400] =	vst v63  }
0x173: {  	_ =	swait.ge [sflag:s20], $0x4000  }
0x174: {  	[sflag:s20] =	ssyncset.done $0x0  }
0x175: {  	s31 =	rddreg [dreg:$0xb];
	[sflag:s20] =	ssyncadd.s32 $0xFFFFC000  }
0x176: {  	[hbm4b:s31+s2] =	stream.linear.scatter [tilespmem:s13], [sflag:$0x7], $0x4000, $0x38;
	[tilespmem:$0x10400] =	vst v63  }
0x177: {  	_ =	swait.ge [sflag:s11], $0x4000  }
0x178: {  	[sflag:s11] =	ssyncset.done $0x0  }
0x179: {  	[sflag:s11] =	ssyncadd.s32 $0xFFFFC000  }
0x17a: {  	[tilespmem:s13], [sflag:$0x3] =	stream.indirect.gather [hbm4b:s21+s16], $0x80, s29, s16, $0xb8;
	[tilespmem:$0x10400] =	vst v63  }
0x17b: {  	_ =	swait.ge [sflag:s18], $0x4000  }
0x17c: {  	[sflag:s18] =	ssyncset.done $0x0  }
0x17d: {  	s1 =	rddreg [dreg:$0xc];
	[sflag:s18] =	ssyncadd.s32 $0xFFFFC000  }
0x17e: {  	[hbm4b:s1+s2] =	stream.linear.scatter [tilespmem:s10], [sflag:$0x8], $0x4000, $0x38;
	[tilespmem:$0x10400] =	vst v63  }
0x17f: {  	_ =	swait.ge [sflag:s12], $0x4000  }
0x180: {  	[sflag:s12] =	ssyncset.done $0x0  }
0x181: {  	[sflag:s12] =	ssyncadd.s32 $0xFFFFC000  }
0x182: {  	[tilespmem:s10], [sflag:$0x4] =	stream.indirect.gather [hbm4b:s21+s16], $0x80, s28, s16, $0xb8;
	[tilespmem:$0x10400] =	vst v63  }
0x183: {  	_ =	swait.ge [sflag:s19], $0x4000  }
0x184: {  	[sflag:s19] =	ssyncset.done $0x0  }
0x185: {  	s26 =	rddreg [dreg:$0xd];
	[sflag:s19] =	ssyncadd.s32 $0xFFFFC000  }
0x186: {  	[hbm4b:s26+s2] =	stream.linear.scatter [tilespmem:s15], [sflag:$0x5], $0x4000, $0x38;
	[tilespmem:$0x10400] =	vst v63  }
0x187: {  	_ =	swait.ge [sflag:s9], $0x4000  }
0x188: {  	[sflag:s9] =	ssyncset.done $0x0  }
0x189: {  	[sflag:s9] =	ssyncadd.s32 $0xFFFFC000  }
0x18a: {  	[tilespmem:s15], [sflag:$0x1] =	stream.indirect.gather [hbm4b:s3+s16], $0x80, s23, s16, $0xb8;
	[tilespmem:$0x10400] =	vst v63  }
0x18b: {  	_ =	swait.ge [sflag:s17], $0x4000  }
0x18c: {  	[sflag:s17] =	ssyncset.done $0x0  }
0x18d: {  	s28 =	rddreg [dreg:$0xe];
	[sflag:s17] =	ssyncadd.s32 $0xFFFFC000  }
0x18e: {  	[hbm4b:s28+s2] =	stream.linear.scatter [tilespmem:s14], [sflag:$0x6], $0x4000, $0x38;
	[tilespmem:$0x10400] =	vst v63  }
0x18f: {  	_ =	swait.ge [sflag:s7], $0x4000  }
0x190: {  	[sflag:s7] =	ssyncset.done $0x0  }
0x191: {  	[sflag:s7] =	ssyncadd.s32 $0xFFFFC000  }
0x192: {  	[tilespmem:s14], [sflag:$0x2] =	stream.indirect.gather [hbm4b:s3+s16], $0x80, s25, s16, $0xb8;
	[tilespmem:$0x10400] =	vst v63  }
0x193: {  	_ =	swait.ge [sflag:s20], $0x4000  }
0x194: {  	[sflag:s20] =	ssyncset.done $0x0  }
0x195: {  	s29 =	rddreg [dreg:$0xf];
	[sflag:s20] =	ssyncadd.s32 $0xFFFFC000  }
0x196: {  	[hbm4b:s29+s2] =	stream.linear.scatter [tilespmem:s13], [sflag:$0x7], $0x4000, $0x38;
	[tilespmem:$0x10400] =	vst v63  }
0x197: {  	_ =	swait.ge [sflag:s11], $0x4000  }
0x198: {  	[sflag:s11] =	ssyncset.done $0x0  }
0x199: {  	[sflag:s11] =	ssyncadd.s32 $0xFFFFC000  }
0x19a: {  	[tilespmem:s13], [sflag:$0x3] =	stream.indirect.gather [hbm4b:s3+s16], $0x80, s24, s16, $0xb8;
	[tilespmem:$0x10400] =	vst v63  }
0x19b: {  	_ =	swait.ge [sflag:s18], $0x4000  }
0x19c: {  	[sflag:s18] =	ssyncset.done $0x0  }
0x19d: {  	s30 =	rddreg [dreg:$0x10];
	[sflag:s18] =	ssyncadd.s32 $0xFFFFC000  }
0x19e: {  	[hbm4b:s30+s2] =	stream.linear.scatter [tilespmem:s10], [sflag:$0x8], $0x4000, $0x38;
	[tilespmem:$0x10400] =	vst v63  }
0x19f: {  	_ =	swait.ge [sflag:s12], $0x4000  }
0x1a0: {  	[sflag:s12] =	ssyncset.done $0x0  }
0x1a1: {  	[sflag:s12] =	ssyncadd.s32 $0xFFFFC000  }
0x1a2: {  	[tilespmem:s10], [sflag:$0x4] =	stream.indirect.gather [hbm4b:s3+s16], $0x80, s22, s16, $0xb8;
	[tilespmem:$0x10400] =	vst v63  }
0x1a3: {  	_ =	swait.ge [sflag:s19], $0x4000  }
0x1a4: {  	[sflag:s19] =	ssyncset.done $0x0  }
0x1a5: {  	[sflag:s19] =	ssyncadd.s32 $0xFFFFC000  }
0x1a6: {  	[hbm4b:s8+s2] =	stream.linear.scatter [tilespmem:s15], [sflag:$0x5], $0x4000, $0x38;
	[tilespmem:$0x10400] =	vst v63  }
0x1a7: {  	_ =	swait.ge [sflag:s17], $0x4000  }
0x1a8: {  	[sflag:s17] =	ssyncset.done $0x0  }
0x1a9: {  	[sflag:s17] =	ssyncadd.s32 $0xFFFFC000  }
0x1aa: {  	[hbm4b:s6+s2] =	stream.linear.scatter [tilespmem:s14], [sflag:$0x6], $0x4000, $0x38;
	[tilespmem:$0x10400] =	vst v63  }
0x1ab: {  	_ =	swait.ge [sflag:s20], $0x4000  }
0x1ac: {  	[sflag:s20] =	ssyncset.done $0x0  }
0x1ad: {  	[sflag:s20] =	ssyncadd.s32 $0xFFFFC000  }
0x1ae: {  	[hbm4b:s5+s2] =	stream.linear.scatter [tilespmem:s13], [sflag:$0x7], $0x4000, $0x38;
	[tilespmem:$0x10400] =	vst v63  }
0x1af: {  	_ =	swait.ge [sflag:s18], $0x4000  }
0x1b0: {  	[sflag:s18] =	ssyncset.done $0x0  }
0x1b1: {  	[sflag:s18] =	ssyncadd.s32 $0xFFFFC000  }
0x1b2: {  	[hbm4b:s4+s2] =	stream.linear.scatter [tilespmem:s10], [sflag:$0x8], $0x4000, $0x38;
	[tilespmem:$0x10400] =	vst v63  }
0x1b3: {  	_ =	swait.ge [sflag:s9], $0x4000  }
0x1b4: {  	[sflag:s9] =	ssyncset.done $0x0  }
0x1b5: {  	[sflag:s9] =	ssyncadd.s32 $0xFFFFC000  }
0x1b6: {  	_ =	swait.ge [sflag:s7], $0x4000  }
0x1b7: {  	[sflag:s7] =	ssyncset.done $0x0  }
0x1b8: {  	[sflag:s7] =	ssyncadd.s32 $0xFFFFC000  }
0x1b9: {  	_ =	swait.ge [sflag:s11], $0x4000  }
0x1ba: {  	[sflag:s11] =	ssyncset.done $0x0  }
0x1bb: {  	[sflag:s11] =	ssyncadd.s32 $0xFFFFC000  }
0x1bc: {  	_ =	swait.ge [sflag:s12], $0x4000  }
0x1bd: {  	[sflag:s12] =	ssyncset.done $0x0  }
0x1be: {  	[sflag:s12] =	ssyncadd.s32 $0xFFFFC000  }
0x1bf: {  	_ =	sfence.sel $0x180000  }
0x1c0: {  	[bflag:$0x0] =	sbarrier.arrive $0xFFFF  }
0x1c1: {  	_ =	strace $0x90000047  }
0x1c2: {  	s31 =	stileid.u32;
	[bflag:$0x2] =	sbarrier.arrive $0xFFFF  }
0x1c3: {  	p0 =	sne.s32 s31, $0x0;
	s0 =	rddreg [dreg:$0x2]  }
0x1c4: {  	s0 =	sadd.s32 @!p0 $0x100000, s0  }
0x1c5: {  	[sflag:s0] =	ssyncadd.tile.s32 @!p0 $0x1;
	_ =	shalt  }
.Lfunc_end2:
_tile_overlayer_lowered:
.L_overlay_start_2:
0x1c6: {  	(tag) =	ssettag $0x2  }
0x1c7: {  	s0 =	rddreg [dreg:$0x0];
	s2 =	stileid.u32  }
0x1c8: {  	s1 =	rddreg [dreg:$0x1];
	p0 =	sne.s32 s2, $0x0  }
0x1c9: {  	s3 =	rddreg [dreg:$0x2];
	[bflag:$0x3] =	sbarrier.arrive $0xFFFF;
	s2 =	simm.s32 @!p0 $0x1C09  }
0x1ca: {  	[timem:s3], [sflag:s2] =	dma.local @!p0 [hbm:s0], s1  }
0x1cb: {  	s0 =	simm.s32 @!p0 $0x9  }
0x1cc: {  	_ =	swait.ge @!p0 [sflag:s0], s1  }
0x1cd: {  	s1 =	ssub.s32 @!p0 $0x0, s1;
	[sflag:s0] =	ssyncset.done @!p0 $0x0  }
0x1ce: {  	[sflag:s0] =	ssyncadd.s32 @!p0 s1  }
0x1cf: {  	[bflag:$0x3] =	sbarrier.arrive $0xFFFF  }
0x1d0: {  	_ =	shalt  }

</sc_bundles>
